<compile_context>
chip_gen: v7x
topology: tpu7x:2x2x1
jax: 0.10.2.dev20260603
libtpu: 0.0.44.dev20260713+nightly
codegen_flags: <defaults>
</compile_context>

<pallas_src>
import functools

import jax
import jax.numpy as jnp
from jax import lax
from jax.experimental import pallas as pl
from jax.experimental.pallas import tpu as pltpu
from jax.experimental.pallas import tpu_sc as plsc

_B = 16384
_L = 20
_MID = 128
_NC = 2
_NS = 16
_NW = _NC * _NS
_BPW = _B // _NW
_GRP = _BPW // 16

_T1P, _T2P, _T3P = 128, 3072, 1024


def _prep_body(ac_ref, play_ref, atk_ref, dfd_ref, evo_ref, states_ref,
               emb1_ref, emb2_ref, emb3_ref, w1_ref, b1_ref, w2_ref, b2_ref,
               packed_ref, base_ref, t1_ref, t2_ref, t3a_ref, t3d_ref,
               t3e_ref):
    hi = lax.Precision.HIGHEST
    pieces = []
    for ref in (ac_ref, play_ref, atk_ref, dfd_ref, evo_ref):
        xt = jnp.transpose(ref[...].astype(jnp.float32))
        pieces.append(xt)
        pieces.append(jnp.zeros((4, _BPW), jnp.float32))
    pieces.append(jnp.zeros((8, _BPW), jnp.float32))
    packed_ref[0] = jnp.concatenate(pieces, axis=0).astype(jnp.int32)

    @pl.when(pl.program_id(0) == 0)
    def _():
        w2 = w2_ref[...]
        v = lax.dot_general(w2, w1_ref[...], (((1,), (0,)), ((), ())),
                            precision=hi)
        c = jnp.sum(b1_ref[...] * w2) + b2_ref[0, 0]

        def projT(vk, emb, pad):
            row = lax.dot_general(vk, emb, (((1,), (1,)), ((), ())),
                                  precision=hi)
            if pad:
                row = jnp.concatenate(
                    [row, jnp.zeros((1, pad), jnp.float32)], axis=1)
            return row

        base_ref[...] = projT(v[:, 0:128], states_ref[...], 0) + c
        t1_ref[...] = projT(v[:, 128:256], emb1_ref[...], _T1P - 5)
        t2_ref[...] = projT(v[:, 256:384], emb2_ref[...], _T2P - 3000)
        t3a_ref[...] = projT(v[:, 384:512], emb3_ref[...], _T3P - 1000)
        t3d_ref[...] = projT(v[:, 512:640], emb3_ref[...], _T3P - 1000)
        t3e_ref[...] = projT(v[:, 640:768], emb3_ref[...], _T3P - 1000)


_prep = pl.pallas_call(
    _prep_body,
    grid=(_NW,),
    in_specs=[
        pl.BlockSpec((_BPW, _L), lambda i: (i, 0)),
        pl.BlockSpec((_BPW, _L), lambda i: (i, 0)),
        pl.BlockSpec((_BPW, _L), lambda i: (i, 0)),
        pl.BlockSpec((_BPW, _L), lambda i: (i, 0)),
        pl.BlockSpec((_BPW, _L), lambda i: (i, 0)),
        pl.BlockSpec((_B, 128), lambda i: (0, 0)),
        pl.BlockSpec((5, 128), lambda i: (0, 0)),
        pl.BlockSpec((3000, 128), lambda i: (0, 0)),
        pl.BlockSpec((1000, 128), lambda i: (0, 0)),
        pl.BlockSpec((128, 768), lambda i: (0, 0)),
        pl.BlockSpec((1, 128), lambda i: (0, 0)),
        pl.BlockSpec((1, 128), lambda i: (0, 0)),
        pl.BlockSpec((1, 1), lambda i: (0, 0)),
    ],
    out_specs=[
        pl.BlockSpec((1, 128, _BPW), lambda i: (i, 0, 0)),
        pl.BlockSpec((1, _B), lambda i: (0, 0)),
        pl.BlockSpec((1, _T1P), lambda i: (0, 0)),
        pl.BlockSpec((1, _T2P), lambda i: (0, 0)),
        pl.BlockSpec((1, _T3P), lambda i: (0, 0)),
        pl.BlockSpec((1, _T3P), lambda i: (0, 0)),
        pl.BlockSpec((1, _T3P), lambda i: (0, 0)),
    ],
    out_shape=[
        jax.ShapeDtypeStruct((_NW, 128, _BPW), jnp.int32),
        jax.ShapeDtypeStruct((1, _B), jnp.float32),
        jax.ShapeDtypeStruct((1, _T1P), jnp.float32),
        jax.ShapeDtypeStruct((1, _T2P), jnp.float32),
        jax.ShapeDtypeStruct((1, _T3P), jnp.float32),
        jax.ShapeDtypeStruct((1, _T3P), jnp.float32),
        jax.ShapeDtypeStruct((1, _T3P), jnp.float32),
    ],
)


def _make_sc_gather():
    mesh = plsc.VectorSubcoreMesh(core_axis_name="c", subcore_axis_name="s")

    @functools.partial(
        pl.kernel,
        mesh=mesh,
        out_type=jax.ShapeDtypeStruct((_B,), jnp.float32),
        compiler_params=pltpu.CompilerParams(needs_layout_passes=False),
        scratch_types=[
            pltpu.VMEM((128, _BPW), jnp.int32),
            pltpu.VMEM((_T1P,), jnp.float32),
            pltpu.VMEM((_T2P,), jnp.float32),
            pltpu.VMEM((_T3P,), jnp.float32),
            pltpu.VMEM((_T3P,), jnp.float32),
            pltpu.VMEM((_T3P,), jnp.float32),
            pltpu.VMEM((_BPW,), jnp.float32),
            pltpu.VMEM((_BPW,), jnp.float32),
        ],
    )
    def sc_k(idx_hbm, base_hbm, t1_hbm, t2_hbm, t3a_hbm, t3d_hbm, t3e_hbm,
             out_hbm,
             tw, t1_v, t2_v, t3a_v, t3d_v, t3e_v, base_v, out_v):
        wid = lax.axis_index("s") * _NC + lax.axis_index("c")
        b0 = wid * _BPW
        pltpu.sync_copy(idx_hbm.at[wid], tw)
        pltpu.sync_copy(t1_hbm, t1_v)
        pltpu.sync_copy(t2_hbm, t2_v)
        pltpu.sync_copy(t3a_hbm, t3a_v)
        pltpu.sync_copy(t3d_hbm, t3d_v)
        pltpu.sync_copy(t3e_hbm, t3e_v)
        pltpu.sync_copy(base_hbm.at[pl.ds(b0, _BPW)], base_v)

        def group(gi, carry):
            s0 = gi * 16
            a1 = base_v[pl.ds(s0, 16)]
            a2 = a1 - a1
            a3 = a2
            a4 = a2
            a5 = a2
            for l in range(_L):
                a1 = a1 + plsc.load_gather(t1_v, [tw[l, pl.ds(s0, 16)]])
                a2 = a2 + plsc.load_gather(t2_v, [tw[24 + l, pl.ds(s0, 16)]])
                a3 = a3 + plsc.load_gather(
                    t3a_v, [tw[48 + l, pl.ds(s0, 16)]])
                a4 = a4 + plsc.load_gather(
                    t3d_v, [tw[72 + l, pl.ds(s0, 16)]])
                a5 = a5 + plsc.load_gather(
                    t3e_v, [tw[96 + l, pl.ds(s0, 16)]])
            out_v[pl.ds(s0, 16)] = (a1 + a2) + (a3 + a4) + a5
            return carry

        lax.fori_loop(0, _GRP, group, 0)
        pltpu.sync_copy(out_v, out_hbm.at[pl.ds(b0, _BPW)])

    return sc_k


_sc_gather = _make_sc_gather()


def kernel(states, action_categories, play_card_ids, attacking_card_ids,
           attacked_card_ids, evolving_card_ids, emb1, emb2, emb3,
           W1, b1, W2, b2):
    i32 = jnp.int32
    packed, base, t1, t2, t3a, t3d, t3e = _prep(
        action_categories.astype(i32), play_card_ids.astype(i32),
        attacking_card_ids.astype(i32), attacked_card_ids.astype(i32),
        evolving_card_ids.astype(i32),
        states, emb1, emb2, emb3, W1, b1.reshape(1, _MID), W2,
        b2.reshape(1, 1))
    out = _sc_gather(
        packed, base.reshape(-1),
        t1.reshape(-1), t2.reshape(-1),
        t3a.reshape(-1), t3d.reshape(-1), t3e.reshape(-1))
    return out.reshape(_B, 1)

# --- scband reference (transcript-rebuilt; emitter-appended) ---
"""Pipeline reference for scband-action-value-net-8761733284472 (READ-ONLY COPY).

The authoritative reference and input builder live on the scoring server;
editing this copy changes nothing except your own understanding.
"""

import jax, jax.numpy as jnp
import numpy as np

MID = 128
B = 16384
L = 20

def setup_inputs(seed: int = 0) -> dict:
    key = jax.random.key(seed)
    ks = jax.random.split(key, 16)
    states = jax.random.normal(ks[0], (B, MID), dtype=jnp.float32)
    action_categories = jax.random.randint(ks[1], (B, L), 0, 5, dtype=jnp.int64)
    play_card_ids = jax.random.randint(ks[2], (B, L), 0, 3000, dtype=jnp.int64)
    attacking_card_ids = jax.random.randint(ks[3], (B, L), 0, 1000, dtype=jnp.int64)
    attacked_card_ids = jax.random.randint(ks[4], (B, L), 0, 1000, dtype=jnp.int64)
    evolving_card_ids = jax.random.randint(ks[5], (B, L), 0, 1000, dtype=jnp.int64)
    emb1 = jax.random.normal(ks[6], (5, MID), dtype=jnp.float32)
    emb2 = jax.random.normal(ks[7], (3000, MID), dtype=jnp.float32)
    emb2 = emb2.at[0].set(0.0)  # padding_idx=0
    emb3 = jax.random.normal(ks[8], (1000, MID), dtype=jnp.float32)
    emb3 = emb3.at[0].set(0.0)  # padding_idx=0
    lim1 = 1.0 / np.sqrt(6 * MID)
    W1 = jax.random.uniform(ks[9], (MID, 6 * MID), minval=-lim1, maxval=lim1, dtype=jnp.float32)
    b1 = jax.random.uniform(ks[10], (MID,), minval=-lim1, maxval=lim1, dtype=jnp.float32)
    lim2 = 1.0 / np.sqrt(MID)
    W2 = jax.random.uniform(ks[11], (1, MID), minval=-lim2, maxval=lim2, dtype=jnp.float32)
    b2 = jax.random.uniform(ks[12], (1,), minval=-lim2, maxval=lim2, dtype=jnp.float32)
    return {
        'states': states,
        'action_categories': action_categories,
        'play_card_ids': play_card_ids,
        'attacking_card_ids': attacking_card_ids,
        'attacked_card_ids': attacked_card_ids,
        'evolving_card_ids': evolving_card_ids,
        'emb1': emb1, 'emb2': emb2, 'emb3': emb3,
        'W1': W1, 'b1': b1, 'W2': W2, 'b2': b2,
    }

def reference(states, action_categories, play_card_ids, attacking_card_ids,
              attacked_card_ids, evolving_card_ids, emb1, emb2, emb3, W1, b1, W2, b2):
    e_act = jnp.sum(jnp.take(emb1, action_categories, axis=0), axis=1)
    e_play = jnp.sum(jnp.take(emb2, play_card_ids, axis=0), axis=1)
    e_atk = jnp.sum(jnp.take(emb3, attacking_card_ids, axis=0), axis=1)
    e_def = jnp.sum(jnp.take(emb3, attacked_card_ids, axis=0), axis=1)
    e_evo = jnp.sum(jnp.take(emb3, evolving_card_ids, axis=0), axis=1)
    tmp = jnp.concatenate([states, e_act, e_play, e_atk, e_def, e_evo], axis=1)
    out = tmp @ W1.T + b1
    out = out @ W2.T + b2
    return out

if __name__ == "__main__":
    import jax
    _d = setup_inputs()
    print(jax.jit(kernel)(*tuple(_d.values())))

</pallas_src>

<mosaic_0001>
#map = affine_map<(d0, d1) -> (0, 0, 0)>
#map1 = affine_map<(d0, d1) -> (0)>
module attributes {stable_mosaic.version = 14 : i64} {
  func.func @sc_k(%arg0: i32, %arg1: i32, %arg2: memref<32x128x512xi32, #tpu.memory_space<hbm>>, %arg3: memref<16384xf32, #tpu.memory_space<hbm>>, %arg4: memref<128xf32, #tpu.memory_space<hbm>>, %arg5: memref<3072xf32, #tpu.memory_space<hbm>>, %arg6: memref<1024xf32, #tpu.memory_space<hbm>>, %arg7: memref<1024xf32, #tpu.memory_space<hbm>>, %arg8: memref<1024xf32, #tpu.memory_space<hbm>>, %arg9: memref<16384xf32, #tpu.memory_space<hbm>>, %arg10: memref<128x512xi32, #tpu.memory_space<vmem>>, %arg11: memref<128xf32, #tpu.memory_space<vmem>>, %arg12: memref<3072xf32, #tpu.memory_space<vmem>>, %arg13: memref<1024xf32, #tpu.memory_space<vmem>>, %arg14: memref<1024xf32, #tpu.memory_space<vmem>>, %arg15: memref<1024xf32, #tpu.memory_space<vmem>>, %arg16: memref<512xf32, #tpu.memory_space<vmem>>, %arg17: memref<512xf32, #tpu.memory_space<vmem>>) attributes {dimension_semantics = [#tpu.dimension_semantics<core_parallel>, #tpu.dimension_semantics<subcore_parallel>], iteration_bounds = array<i64: 2, 16>, scalar_prefetch = 0 : i64, scratch_operands = 8 : i64, tpu.core_type = #tpu.core_type<sc_vector_subcore>, window_params = [{transform_indices = #map}, {transform_indices = #map1}, {transform_indices = #map1}, {transform_indices = #map1}, {transform_indices = #map1}, {transform_indices = #map1}, {transform_indices = #map1}, {transform_indices = #map1}]} {
    %mul3A = arith.constant 2 : i32
    %mul3A_0 = arith.muli %arg1, %mul3A : i32
    %add3A = arith.addi %mul3A_0, %arg0 : i32
    %mul3A_1 = arith.constant 512 : i32
    %mul3A_2 = arith.muli %add3A, %mul3A_1 : i32
    "tpu.region"() ({
      %run_scoped3A = tpu.sem_alloc : memref<!tpu.dma_semaphore, #tpu.memory_space<semaphore_mem>>
      %dma_start3A = arith.constant 0 : i32
      %dma_start3A_8 = arith.constant 0 : i32
      %dma_start3A_9 = tpu.memref_slice %arg2[%add3A, %dma_start3A, %dma_start3A_8] : memref<32x128x512xi32, #tpu.memory_space<hbm>> -> memref<1x128x512xi32, #tpu.memory_space<hbm>>
      %dma_start3A_10 = tpu.memref_squeeze %dma_start3A_9 : memref<1x128x512xi32, #tpu.memory_space<hbm>> -> memref<128x512xi32, #tpu.memory_space<hbm>>
      %dma_start3A_11 = arith.constant 0 : i32
      %dma_start3A_12 = arith.constant 0 : i32
      %dma_start3A_13 = tpu.memref_slice %arg2[%add3A, %dma_start3A_11, %dma_start3A_12] : memref<32x128x512xi32, #tpu.memory_space<hbm>> -> memref<1x128x512xi32, #tpu.memory_space<hbm>>
      %dma_start3A_14 = tpu.memref_squeeze %dma_start3A_13 : memref<1x128x512xi32, #tpu.memory_space<hbm>> -> memref<128x512xi32, #tpu.memory_space<hbm>>
      tpu.enqueue_dma source(%dma_start3A_14 : memref<128x512xi32, #tpu.memory_space<hbm>>) target(%arg10 : memref<128x512xi32, #tpu.memory_space<vmem>>) target_semaphore(%run_scoped3A : memref<!tpu.dma_semaphore, #tpu.memory_space<semaphore_mem>>)
      %dma_wait3A = arith.constant 0 : i32
      %dma_wait3A_15 = arith.constant 0 : i32
      %dma_wait3A_16 = tpu.memref_slice %arg2[%add3A, %dma_wait3A, %dma_wait3A_15] : memref<32x128x512xi32, #tpu.memory_space<hbm>> -> memref<1x128x512xi32, #tpu.memory_space<hbm>>
      %dma_wait3A_17 = tpu.memref_squeeze %dma_wait3A_16 : memref<1x128x512xi32, #tpu.memory_space<hbm>> -> memref<128x512xi32, #tpu.memory_space<hbm>>
      %dma_wait3A_18 = arith.constant 0 : i32
      %dma_wait3A_19 = arith.constant 0 : i32
      %dma_wait3A_20 = tpu.memref_slice %arg2[%add3A, %dma_wait3A_18, %dma_wait3A_19] : memref<32x128x512xi32, #tpu.memory_space<hbm>> -> memref<1x128x512xi32, #tpu.memory_space<hbm>>
      %dma_wait3A_21 = tpu.memref_squeeze %dma_wait3A_20 : memref<1x128x512xi32, #tpu.memory_space<hbm>> -> memref<128x512xi32, #tpu.memory_space<hbm>>
      tpu.wait_dma2 semaphore(%run_scoped3A : memref<!tpu.dma_semaphore, #tpu.memory_space<semaphore_mem>>) src(%dma_wait3A_21 : memref<128x512xi32, #tpu.memory_space<hbm>>) dst(%arg10 : memref<128x512xi32, #tpu.memory_space<vmem>>)
      tpu.yield
    }) : () -> ()
    "tpu.region"() ({
      %run_scoped3A = tpu.sem_alloc : memref<!tpu.dma_semaphore, #tpu.memory_space<semaphore_mem>>
      tpu.enqueue_dma source(%arg4 : memref<128xf32, #tpu.memory_space<hbm>>) target(%arg11 : memref<128xf32, #tpu.memory_space<vmem>>) target_semaphore(%run_scoped3A : memref<!tpu.dma_semaphore, #tpu.memory_space<semaphore_mem>>)
      tpu.wait_dma2 semaphore(%run_scoped3A : memref<!tpu.dma_semaphore, #tpu.memory_space<semaphore_mem>>) src(%arg4 : memref<128xf32, #tpu.memory_space<hbm>>) dst(%arg11 : memref<128xf32, #tpu.memory_space<vmem>>)
      tpu.yield
    }) : () -> ()
    "tpu.region"() ({
      %run_scoped3A = tpu.sem_alloc : memref<!tpu.dma_semaphore, #tpu.memory_space<semaphore_mem>>
      tpu.enqueue_dma source(%arg5 : memref<3072xf32, #tpu.memory_space<hbm>>) target(%arg12 : memref<3072xf32, #tpu.memory_space<vmem>>) target_semaphore(%run_scoped3A : memref<!tpu.dma_semaphore, #tpu.memory_space<semaphore_mem>>)
      tpu.wait_dma2 semaphore(%run_scoped3A : memref<!tpu.dma_semaphore, #tpu.memory_space<semaphore_mem>>) src(%arg5 : memref<3072xf32, #tpu.memory_space<hbm>>) dst(%arg12 : memref<3072xf32, #tpu.memory_space<vmem>>)
      tpu.yield
    }) : () -> ()
    "tpu.region"() ({
      %run_scoped3A = tpu.sem_alloc : memref<!tpu.dma_semaphore, #tpu.memory_space<semaphore_mem>>
      tpu.enqueue_dma source(%arg6 : memref<1024xf32, #tpu.memory_space<hbm>>) target(%arg13 : memref<1024xf32, #tpu.memory_space<vmem>>) target_semaphore(%run_scoped3A : memref<!tpu.dma_semaphore, #tpu.memory_space<semaphore_mem>>)
      tpu.wait_dma2 semaphore(%run_scoped3A : memref<!tpu.dma_semaphore, #tpu.memory_space<semaphore_mem>>) src(%arg6 : memref<1024xf32, #tpu.memory_space<hbm>>) dst(%arg13 : memref<1024xf32, #tpu.memory_space<vmem>>)
      tpu.yield
    }) : () -> ()
    "tpu.region"() ({
      %run_scoped3A = tpu.sem_alloc : memref<!tpu.dma_semaphore, #tpu.memory_space<semaphore_mem>>
      tpu.enqueue_dma source(%arg7 : memref<1024xf32, #tpu.memory_space<hbm>>) target(%arg14 : memref<1024xf32, #tpu.memory_space<vmem>>) target_semaphore(%run_scoped3A : memref<!tpu.dma_semaphore, #tpu.memory_space<semaphore_mem>>)
      tpu.wait_dma2 semaphore(%run_scoped3A : memref<!tpu.dma_semaphore, #tpu.memory_space<semaphore_mem>>) src(%arg7 : memref<1024xf32, #tpu.memory_space<hbm>>) dst(%arg14 : memref<1024xf32, #tpu.memory_space<vmem>>)
      tpu.yield
    }) : () -> ()
    "tpu.region"() ({
      %run_scoped3A = tpu.sem_alloc : memref<!tpu.dma_semaphore, #tpu.memory_space<semaphore_mem>>
      tpu.enqueue_dma source(%arg8 : memref<1024xf32, #tpu.memory_space<hbm>>) target(%arg15 : memref<1024xf32, #tpu.memory_space<vmem>>) target_semaphore(%run_scoped3A : memref<!tpu.dma_semaphore, #tpu.memory_space<semaphore_mem>>)
      tpu.wait_dma2 semaphore(%run_scoped3A : memref<!tpu.dma_semaphore, #tpu.memory_space<semaphore_mem>>) src(%arg8 : memref<1024xf32, #tpu.memory_space<hbm>>) dst(%arg15 : memref<1024xf32, #tpu.memory_space<vmem>>)
      tpu.yield
    }) : () -> ()
    "tpu.region"() ({
      %run_scoped3A = tpu.sem_alloc : memref<!tpu.dma_semaphore, #tpu.memory_space<semaphore_mem>>
      %dma_start3A = tpu.memref_slice %arg3[%mul3A_2] : memref<16384xf32, #tpu.memory_space<hbm>> -> memref<512xf32, #tpu.memory_space<hbm>>
      %dma_start3A_8 = tpu.memref_slice %arg3[%mul3A_2] : memref<16384xf32, #tpu.memory_space<hbm>> -> memref<512xf32, #tpu.memory_space<hbm>>
      tpu.enqueue_dma source(%dma_start3A_8 : memref<512xf32, #tpu.memory_space<hbm>>) target(%arg16 : memref<512xf32, #tpu.memory_space<vmem>>) target_semaphore(%run_scoped3A : memref<!tpu.dma_semaphore, #tpu.memory_space<semaphore_mem>>)
      %dma_wait3A = tpu.memref_slice %arg3[%mul3A_2] : memref<16384xf32, #tpu.memory_space<hbm>> -> memref<512xf32, #tpu.memory_space<hbm>>
      %dma_wait3A_9 = tpu.memref_slice %arg3[%mul3A_2] : memref<16384xf32, #tpu.memory_space<hbm>> -> memref<512xf32, #tpu.memory_space<hbm>>
      tpu.wait_dma2 semaphore(%run_scoped3A : memref<!tpu.dma_semaphore, #tpu.memory_space<semaphore_mem>>) src(%dma_wait3A_9 : memref<512xf32, #tpu.memory_space<hbm>>) dst(%arg16 : memref<512xf32, #tpu.memory_space<vmem>>)
      tpu.yield
    }) : () -> ()
    %scan3A = arith.constant 0 : i32
    %scan3A_3 = arith.constant 0 : i32
    %scan3A_4 = arith.constant 32 : i32
    %scan3A_5 = arith.addi %scan3A_3, %scan3A_4 : i32
    %scan3A_6 = arith.constant 1 : i32
    scf.for %scan3A_8 = %scan3A_3 to %scan3A_5 step %scan3A_6  : i32 {
      %mul3A_9 = arith.constant 16 : i32
      %mul3A_10 = arith.muli %scan3A_8, %mul3A_9 : i32
      %get3A = arith.index_cast %mul3A_10 : i32 to index
      %get3A_11 = tpu.vector_load %arg16[%get3A] {strides = array<i32>} : memref<512xf32, #tpu.memory_space<vmem>>, vector<16xf32>,
      %sub3A = arith.subf %get3A_11, %get3A_11 : vector<16xf32>
      %get3A_12 = arith.constant 0 : i32
      %get3A_13 = arith.index_cast %get3A_12 : i32 to index
      %get3A_14 = arith.index_cast %mul3A_10 : i32 to index
      %get3A_15 = tpu.vector_load %arg10[%get3A_13, %get3A_14] {strides = array<i32>} : memref<128x512xi32, #tpu.memory_space<vmem>>, vector<16xi32>,
      %gather3A = tpu.vector_load_idx %arg11[%get3A_15] : memref<128xf32, #tpu.memory_space<vmem>>[vector<16xi32>], vector<16xf32>,
      %add3A_16 = arith.addf %get3A_11, %gather3A : vector<16xf32>
      %get3A_17 = arith.constant 24 : i32
      %get3A_18 = arith.index_cast %get3A_17 : i32 to index
      %get3A_19 = arith.index_cast %mul3A_10 : i32 to index
      %get3A_20 = tpu.vector_load %arg10[%get3A_18, %get3A_19] {strides = array<i32>} : memref<128x512xi32, #tpu.memory_space<vmem>>, vector<16xi32>,
      %gather3A_21 = tpu.vector_load_idx %arg12[%get3A_20] : memref<3072xf32, #tpu.memory_space<vmem>>[vector<16xi32>], vector<16xf32>,
      %add3A_22 = arith.addf %sub3A, %gather3A_21 : vector<16xf32>
      %get3A_23 = arith.constant 48 : i32
      %get3A_24 = arith.index_cast %get3A_23 : i32 to index
      %get3A_25 = arith.index_cast %mul3A_10 : i32 to index
      %get3A_26 = tpu.vector_load %arg10[%get3A_24, %get3A_25] {strides = array<i32>} : memref<128x512xi32, #tpu.memory_space<vmem>>, vector<16xi32>,
      %gather3A_27 = tpu.vector_load_idx %arg13[%get3A_26] : memref<1024xf32, #tpu.memory_space<vmem>>[vector<16xi32>], vector<16xf32>,
      %add3A_28 = arith.addf %sub3A, %gather3A_27 : vector<16xf32>
      %get3A_29 = arith.constant 72 : i32
      %get3A_30 = arith.index_cast %get3A_29 : i32 to index
      %get3A_31 = arith.index_cast %mul3A_10 : i32 to index
      %get3A_32 = tpu.vector_load %arg10[%get3A_30, %get3A_31] {strides = array<i32>} : memref<128x512xi32, #tpu.memory_space<vmem>>, vector<16xi32>,
      %gather3A_33 = tpu.vector_load_idx %arg14[%get3A_32] : memref<1024xf32, #tpu.memory_space<vmem>>[vector<16xi32>], vector<16xf32>,
      %add3A_34 = arith.addf %sub3A, %gather3A_33 : vector<16xf32>
      %get3A_35 = arith.constant 96 : i32
      %get3A_36 = arith.index_cast %get3A_35 : i32 to index
      %get3A_37 = arith.index_cast %mul3A_10 : i32 to index
      %get3A_38 = tpu.vector_load %arg10[%get3A_36, %get3A_37] {strides = array<i32>} : memref<128x512xi32, #tpu.memory_space<vmem>>, vector<16xi32>,
      %gather3A_39 = tpu.vector_load_idx %arg15[%get3A_38] : memref<1024xf32, #tpu.memory_space<vmem>>[vector<16xi32>], vector<16xf32>,
      %add3A_40 = arith.addf %sub3A, %gather3A_39 : vector<16xf32>
      %get3A_41 = arith.constant 1 : i32
      %get3A_42 = arith.index_cast %get3A_41 : i32 to index
      %get3A_43 = arith.index_cast %mul3A_10 : i32 to index
      %get3A_44 = tpu.vector_load %arg10[%get3A_42, %get3A_43] {strides = array<i32>} : memref<128x512xi32, #tpu.memory_space<vmem>>, vector<16xi32>,
      %gather3A_45 = tpu.vector_load_idx %arg11[%get3A_44] : memref<128xf32, #tpu.memory_space<vmem>>[vector<16xi32>], vector<16xf32>,
      %add3A_46 = arith.addf %add3A_16, %gather3A_45 : vector<16xf32>
      %get3A_47 = arith.constant 25 : i32
      %get3A_48 = arith.index_cast %get3A_47 : i32 to index
      %get3A_49 = arith.index_cast %mul3A_10 : i32 to index
      %get3A_50 = tpu.vector_load %arg10[%get3A_48, %get3A_49] {strides = array<i32>} : memref<128x512xi32, #tpu.memory_space<vmem>>, vector<16xi32>,
      %gather3A_51 = tpu.vector_load_idx %arg12[%get3A_50] : memref<3072xf32, #tpu.memory_space<vmem>>[vector<16xi32>], vector<16xf32>,
      %add3A_52 = arith.addf %add3A_22, %gather3A_51 : vector<16xf32>
      %get3A_53 = arith.constant 49 : i32
      %get3A_54 = arith.index_cast %get3A_53 : i32 to index
      %get3A_55 = arith.index_cast %mul3A_10 : i32 to index
      %get3A_56 = tpu.vector_load %arg10[%get3A_54, %get3A_55] {strides = array<i32>} : memref<128x512xi32, #tpu.memory_space<vmem>>, vector<16xi32>,
      %gather3A_57 = tpu.vector_load_idx %arg13[%get3A_56] : memref<1024xf32, #tpu.memory_space<vmem>>[vector<16xi32>], vector<16xf32>,
      %add3A_58 = arith.addf %add3A_28, %gather3A_57 : vector<16xf32>
      %get3A_59 = arith.constant 73 : i32
      %get3A_60 = arith.index_cast %get3A_59 : i32 to index
      %get3A_61 = arith.index_cast %mul3A_10 : i32 to index
      %get3A_62 = tpu.vector_load %arg10[%get3A_60, %get3A_61] {strides = array<i32>} : memref<128x512xi32, #tpu.memory_space<vmem>>, vector<16xi32>,
      %gather3A_63 = tpu.vector_load_idx %arg14[%get3A_62] : memref<1024xf32, #tpu.memory_space<vmem>>[vector<16xi32>], vector<16xf32>,
      %add3A_64 = arith.addf %add3A_34, %gather3A_63 : vector<16xf32>
      %get3A_65 = arith.constant 97 : i32
      %get3A_66 = arith.index_cast %get3A_65 : i32 to index
      %get3A_67 = arith.index_cast %mul3A_10 : i32 to index
      %get3A_68 = tpu.vector_load %arg10[%get3A_66, %get3A_67] {strides = array<i32>} : memref<128x512xi32, #tpu.memory_space<vmem>>, vector<16xi32>,
      %gather3A_69 = tpu.vector_load_idx %arg15[%get3A_68] : memref<1024xf32, #tpu.memory_space<vmem>>[vector<16xi32>], vector<16xf32>,
      %add3A_70 = arith.addf %add3A_40, %gather3A_69 : vector<16xf32>
      %get3A_71 = arith.constant 2 : i32
      %get3A_72 = arith.index_cast %get3A_71 : i32 to index
      %get3A_73 = arith.index_cast %mul3A_10 : i32 to index
      %get3A_74 = tpu.vector_load %arg10[%get3A_72, %get3A_73] {strides = array<i32>} : memref<128x512xi32, #tpu.memory_space<vmem>>, vector<16xi32>,
      %gather3A_75 = tpu.vector_load_idx %arg11[%get3A_74] : memref<128xf32, #tpu.memory_space<vmem>>[vector<16xi32>], vector<16xf32>,
      %add3A_76 = arith.addf %add3A_46, %gather3A_75 : vector<16xf32>
      %get3A_77 = arith.constant 26 : i32
      %get3A_78 = arith.index_cast %get3A_77 : i32 to index
      %get3A_79 = arith.index_cast %mul3A_10 : i32 to index
      %get3A_80 = tpu.vector_load %arg10[%get3A_78, %get3A_79] {strides = array<i32>} : memref<128x512xi32, #tpu.memory_space<vmem>>, vector<16xi32>,
      %gather3A_81 = tpu.vector_load_idx %arg12[%get3A_80] : memref<3072xf32, #tpu.memory_space<vmem>>[vector<16xi32>], vector<16xf32>,
      %add3A_82 = arith.addf %add3A_52, %gather3A_81 : vector<16xf32>
      %get3A_83 = arith.constant 50 : i32
      %get3A_84 = arith.index_cast %get3A_83 : i32 to index
      %get3A_85 = arith.index_cast %mul3A_10 : i32 to index
      %get3A_86 = tpu.vector_load %arg10[%get3A_84, %get3A_85] {strides = array<i32>} : memref<128x512xi32, #tpu.memory_space<vmem>>, vector<16xi32>,
      %gather3A_87 = tpu.vector_load_idx %arg13[%get3A_86] : memref<1024xf32, #tpu.memory_space<vmem>>[vector<16xi32>], vector<16xf32>,
      %add3A_88 = arith.addf %add3A_58, %gather3A_87 : vector<16xf32>
      %get3A_89 = arith.constant 74 : i32
      %get3A_90 = arith.index_cast %get3A_89 : i32 to index
      %get3A_91 = arith.index_cast %mul3A_10 : i32 to index
      %get3A_92 = tpu.vector_load %arg10[%get3A_90, %get3A_91] {strides = array<i32>} : memref<128x512xi32, #tpu.memory_space<vmem>>, vector<16xi32>,
      %gather3A_93 = tpu.vector_load_idx %arg14[%get3A_92] : memref<1024xf32, #tpu.memory_space<vmem>>[vector<16xi32>], vector<16xf32>,
      %add3A_94 = arith.addf %add3A_64, %gather3A_93 : vector<16xf32>
      %get3A_95 = arith.constant 98 : i32
      %get3A_96 = arith.index_cast %get3A_95 : i32 to index
      %get3A_97 = arith.index_cast %mul3A_10 : i32 to index
      %get3A_98 = tpu.vector_load %arg10[%get3A_96, %get3A_97] {strides = array<i32>} : memref<128x512xi32, #tpu.memory_space<vmem>>, vector<16xi32>,
      %gather3A_99 = tpu.vector_load_idx %arg15[%get3A_98] : memref<1024xf32, #tpu.memory_space<vmem>>[vector<16xi32>], vector<16xf32>,
      %add3A_100 = arith.addf %add3A_70, %gather3A_99 : vector<16xf32>
      %get3A_101 = arith.constant 3 : i32
      %get3A_102 = arith.index_cast %get3A_101 : i32 to index
      %get3A_103 = arith.index_cast %mul3A_10 : i32 to index
      %get3A_104 = tpu.vector_load %arg10[%get3A_102, %get3A_103] {strides = array<i32>} : memref<128x512xi32, #tpu.memory_space<vmem>>, vector<16xi32>,
      %gather3A_105 = tpu.vector_load_idx %arg11[%get3A_104] : memref<128xf32, #tpu.memory_space<vmem>>[vector<16xi32>], vector<16xf32>,
      %add3A_106 = arith.addf %add3A_76, %gather3A_105 : vector<16xf32>
      %get3A_107 = arith.constant 27 : i32
      %get3A_108 = arith.index_cast %get3A_107 : i32 to index
      %get3A_109 = arith.index_cast %mul3A_10 : i32 to index
      %get3A_110 = tpu.vector_load %arg10[%get3A_108, %get3A_109] {strides = array<i32>} : memref<128x512xi32, #tpu.memory_space<vmem>>, vector<16xi32>,
      %gather3A_111 = tpu.vector_load_idx %arg12[%get3A_110] : memref<3072xf32, #tpu.memory_space<vmem>>[vector<16xi32>], vector<16xf32>,
      %add3A_112 = arith.addf %add3A_82, %gather3A_111 : vector<16xf32>
      %get3A_113 = arith.constant 51 : i32
      %get3A_114 = arith.index_cast %get3A_113 : i32 to index
      %get3A_115 = arith.index_cast %mul3A_10 : i32 to index
      %get3A_116 = tpu.vector_load %arg10[%get3A_114, %get3A_115] {strides = array<i32>} : memref<128x512xi32, #tpu.memory_space<vmem>>, vector<16xi32>,
      %gather3A_117 = tpu.vector_load_idx %arg13[%get3A_116] : memref<1024xf32, #tpu.memory_space<vmem>>[vector<16xi32>], vector<16xf32>,
      %add3A_118 = arith.addf %add3A_88, %gather3A_117 : vector<16xf32>
      %get3A_119 = arith.constant 75 : i32
      %get3A_120 = arith.index_cast %get3A_119 : i32 to index
      %get3A_121 = arith.index_cast %mul3A_10 : i32 to index
      %get3A_122 = tpu.vector_load %arg10[%get3A_120, %get3A_121] {strides = array<i32>} : memref<128x512xi32, #tpu.memory_space<vmem>>, vector<16xi32>,
      %gather3A_123 = tpu.vector_load_idx %arg14[%get3A_122] : memref<1024xf32, #tpu.memory_space<vmem>>[vector<16xi32>], vector<16xf32>,
      %add3A_124 = arith.addf %add3A_94, %gather3A_123 : vector<16xf32>
      %get3A_125 = arith.constant 99 : i32
      %get3A_126 = arith.index_cast %get3A_125 : i32 to index
      %get3A_127 = arith.index_cast %mul3A_10 : i32 to index
      %get3A_128 = tpu.vector_load %arg10[%get3A_126, %get3A_127] {strides = array<i32>} : memref<128x512xi32, #tpu.memory_space<vmem>>, vector<16xi32>,
      %gather3A_129 = tpu.vector_load_idx %arg15[%get3A_128] : memref<1024xf32, #tpu.memory_space<vmem>>[vector<16xi32>], vector<16xf32>,
      %add3A_130 = arith.addf %add3A_100, %gather3A_129 : vector<16xf32>
      %get3A_131 = arith.constant 4 : i32
      %get3A_132 = arith.index_cast %get3A_131 : i32 to index
      %get3A_133 = arith.index_cast %mul3A_10 : i32 to index
      %get3A_134 = tpu.vector_load %arg10[%get3A_132, %get3A_133] {strides = array<i32>} : memref<128x512xi32, #tpu.memory_space<vmem>>, vector<16xi32>,
      %gather3A_135 = tpu.vector_load_idx %arg11[%get3A_134] : memref<128xf32, #tpu.memory_space<vmem>>[vector<16xi32>], vector<16xf32>,
      %add3A_136 = arith.addf %add3A_106, %gather3A_135 : vector<16xf32>
      %get3A_137 = arith.constant 28 : i32
      %get3A_138 = arith.index_cast %get3A_137 : i32 to index
      %get3A_139 = arith.index_cast %mul3A_10 : i32 to index
      %get3A_140 = tpu.vector_load %arg10[%get3A_138, %get3A_139] {strides = array<i32>} : memref<128x512xi32, #tpu.memory_space<vmem>>, vector<16xi32>,
      %gather3A_141 = tpu.vector_load_idx %arg12[%get3A_140] : memref<3072xf32, #tpu.memory_space<vmem>>[vector<16xi32>], vector<16xf32>,
      %add3A_142 = arith.addf %add3A_112, %gather3A_141 : vector<16xf32>
      %get3A_143 = arith.constant 52 : i32
      %get3A_144 = arith.index_cast %get3A_143 : i32 to index
      %get3A_145 = arith.index_cast %mul3A_10 : i32 to index
      %get3A_146 = tpu.vector_load %arg10[%get3A_144, %get3A_145] {strides = array<i32>} : memref<128x512xi32, #tpu.memory_space<vmem>>, vector<16xi32>,
      %gather3A_147 = tpu.vector_load_idx %arg13[%get3A_146] : memref<1024xf32, #tpu.memory_space<vmem>>[vector<16xi32>], vector<16xf32>,
      %add3A_148 = arith.addf %add3A_118, %gather3A_147 : vector<16xf32>
      %get3A_149 = arith.constant 76 : i32
      %get3A_150 = arith.index_cast %get3A_149 : i32 to index
      %get3A_151 = arith.index_cast %mul3A_10 : i32 to index
      %get3A_152 = tpu.vector_load %arg10[%get3A_150, %get3A_151] {strides = array<i32>} : memref<128x512xi32, #tpu.memory_space<vmem>>, vector<16xi32>,
      %gather3A_153 = tpu.vector_load_idx %arg14[%get3A_152] : memref<1024xf32, #tpu.memory_space<vmem>>[vector<16xi32>], vector<16xf32>,
      %add3A_154 = arith.addf %add3A_124, %gather3A_153 : vector<16xf32>
      %get3A_155 = arith.constant 100 : i32
      %get3A_156 = arith.index_cast %get3A_155 : i32 to index
      %get3A_157 = arith.index_cast %mul3A_10 : i32 to index
      %get3A_158 = tpu.vector_load %arg10[%get3A_156, %get3A_157] {strides = array<i32>} : memref<128x512xi32, #tpu.memory_space<vmem>>, vector<16xi32>,
      %gather3A_159 = tpu.vector_load_idx %arg15[%get3A_158] : memref<1024xf32, #tpu.memory_space<vmem>>[vector<16xi32>], vector<16xf32>,
      %add3A_160 = arith.addf %add3A_130, %gather3A_159 : vector<16xf32>
      %get3A_161 = arith.constant 5 : i32
      %get3A_162 = arith.index_cast %get3A_161 : i32 to index
      %get3A_163 = arith.index_cast %mul3A_10 : i32 to index
      %get3A_164 = tpu.vector_load %arg10[%get3A_162, %get3A_163] {strides = array<i32>} : memref<128x512xi32, #tpu.memory_space<vmem>>, vector<16xi32>,
      %gather3A_165 = tpu.vector_load_idx %arg11[%get3A_164] : memref<128xf32, #tpu.memory_space<vmem>>[vector<16xi32>], vector<16xf32>,
      %add3A_166 = arith.addf %add3A_136, %gather3A_165 : vector<16xf32>
      %get3A_167 = arith.constant 29 : i32
      %get3A_168 = arith.index_cast %get3A_167 : i32 to index
      %get3A_169 = arith.index_cast %mul3A_10 : i32 to index
      %get3A_170 = tpu.vector_load %arg10[%get3A_168, %get3A_169] {strides = array<i32>} : memref<128x512xi32, #tpu.memory_space<vmem>>, vector<16xi32>,
      %gather3A_171 = tpu.vector_load_idx %arg12[%get3A_170] : memref<3072xf32, #tpu.memory_space<vmem>>[vector<16xi32>], vector<16xf32>,
      %add3A_172 = arith.addf %add3A_142, %gather3A_171 : vector<16xf32>
      %get3A_173 = arith.constant 53 : i32
      %get3A_174 = arith.index_cast %get3A_173 : i32 to index
      %get3A_175 = arith.index_cast %mul3A_10 : i32 to index
      %get3A_176 = tpu.vector_load %arg10[%get3A_174, %get3A_175] {strides = array<i32>} : memref<128x512xi32, #tpu.memory_space<vmem>>, vector<16xi32>,
      %gather3A_177 = tpu.vector_load_idx %arg13[%get3A_176] : memref<1024xf32, #tpu.memory_space<vmem>>[vector<16xi32>], vector<16xf32>,
      %add3A_178 = arith.addf %add3A_148, %gather3A_177 : vector<16xf32>
      %get3A_179 = arith.constant 77 : i32
      %get3A_180 = arith.index_cast %get3A_179 : i32 to index
      %get3A_181 = arith.index_cast %mul3A_10 : i32 to index
      %get3A_182 = tpu.vector_load %arg10[%get3A_180, %get3A_181] {strides = array<i32>} : memref<128x512xi32, #tpu.memory_space<vmem>>, vector<16xi32>,
      %gather3A_183 = tpu.vector_load_idx %arg14[%get3A_182] : memref<1024xf32, #tpu.memory_space<vmem>>[vector<16xi32>], vector<16xf32>,
      %add3A_184 = arith.addf %add3A_154, %gather3A_183 : vector<16xf32>
      %get3A_185 = arith.constant 101 : i32
      %get3A_186 = arith.index_cast %get3A_185 : i32 to index
      %get3A_187 = arith.index_cast %mul3A_10 : i32 to index
      %get3A_188 = tpu.vector_load %arg10[%get3A_186, %get3A_187] {strides = array<i32>} : memref<128x512xi32, #tpu.memory_space<vmem>>, vector<16xi32>,
      %gather3A_189 = tpu.vector_load_idx %arg15[%get3A_188] : memref<1024xf32, #tpu.memory_space<vmem>>[vector<16xi32>], vector<16xf32>,
      %add3A_190 = arith.addf %add3A_160, %gather3A_189 : vector<16xf32>
      %get3A_191 = arith.constant 6 : i32
      %get3A_192 = arith.index_cast %get3A_191 : i32 to index
      %get3A_193 = arith.index_cast %mul3A_10 : i32 to index
      %get3A_194 = tpu.vector_load %arg10[%get3A_192, %get3A_193] {strides = array<i32>} : memref<128x512xi32, #tpu.memory_space<vmem>>, vector<16xi32>,
      %gather3A_195 = tpu.vector_load_idx %arg11[%get3A_194] : memref<128xf32, #tpu.memory_space<vmem>>[vector<16xi32>], vector<16xf32>,
      %add3A_196 = arith.addf %add3A_166, %gather3A_195 : vector<16xf32>
      %get3A_197 = arith.constant 30 : i32
      %get3A_198 = arith.index_cast %get3A_197 : i32 to index
      %get3A_199 = arith.index_cast %mul3A_10 : i32 to index
      %get3A_200 = tpu.vector_load %arg10[%get3A_198, %get3A_199] {strides = array<i32>} : memref<128x512xi32, #tpu.memory_space<vmem>>, vector<16xi32>,
      %gather3A_201 = tpu.vector_load_idx %arg12[%get3A_200] : memref<3072xf32, #tpu.memory_space<vmem>>[vector<16xi32>], vector<16xf32>,
      %add3A_202 = arith.addf %add3A_172, %gather3A_201 : vector<16xf32>
      %get3A_203 = arith.constant 54 : i32
      %get3A_204 = arith.index_cast %get3A_203 : i32 to index
      %get3A_205 = arith.index_cast %mul3A_10 : i32 to index
      %get3A_206 = tpu.vector_load %arg10[%get3A_204, %get3A_205] {strides = array<i32>} : memref<128x512xi32, #tpu.memory_space<vmem>>, vector<16xi32>,
      %gather3A_207 = tpu.vector_load_idx %arg13[%get3A_206] : memref<1024xf32, #tpu.memory_space<vmem>>[vector<16xi32>], vector<16xf32>,
      %add3A_208 = arith.addf %add3A_178, %gather3A_207 : vector<16xf32>
      %get3A_209 = arith.constant 78 : i32
      %get3A_210 = arith.index_cast %get3A_209 : i32 to index
      %get3A_211 = arith.index_cast %mul3A_10 : i32 to index
      %get3A_212 = tpu.vector_load %arg10[%get3A_210, %get3A_211] {strides = array<i32>} : memref<128x512xi32, #tpu.memory_space<vmem>>, vector<16xi32>,
      %gather3A_213 = tpu.vector_load_idx %arg14[%get3A_212] : memref<1024xf32, #tpu.memory_space<vmem>>[vector<16xi32>], vector<16xf32>,
      %add3A_214 = arith.addf %add3A_184, %gather3A_213 : vector<16xf32>
      %get3A_215 = arith.constant 102 : i32
      %get3A_216 = arith.index_cast %get3A_215 : i32 to index
      %get3A_217 = arith.index_cast %mul3A_10 : i32 to index
      %get3A_218 = tpu.vector_load %arg10[%get3A_216, %get3A_217] {strides = array<i32>} : memref<128x512xi32, #tpu.memory_space<vmem>>, vector<16xi32>,
      %gather3A_219 = tpu.vector_load_idx %arg15[%get3A_218] : memref<1024xf32, #tpu.memory_space<vmem>>[vector<16xi32>], vector<16xf32>,
      %add3A_220 = arith.addf %add3A_190, %gather3A_219 : vector<16xf32>
      %get3A_221 = arith.constant 7 : i32
      %get3A_222 = arith.index_cast %get3A_221 : i32 to index
      %get3A_223 = arith.index_cast %mul3A_10 : i32 to index
      %get3A_224 = tpu.vector_load %arg10[%get3A_222, %get3A_223] {strides = array<i32>} : memref<128x512xi32, #tpu.memory_space<vmem>>, vector<16xi32>,
      %gather3A_225 = tpu.vector_load_idx %arg11[%get3A_224] : memref<128xf32, #tpu.memory_space<vmem>>[vector<16xi32>], vector<16xf32>,
      %add3A_226 = arith.addf %add3A_196, %gather3A_225 : vector<16xf32>
      %get3A_227 = arith.constant 31 : i32
      %get3A_228 = arith.index_cast %get3A_227 : i32 to index
      %get3A_229 = arith.index_cast %mul3A_10 : i32 to index
      %get3A_230 = tpu.vector_load %arg10[%get3A_228, %get3A_229] {strides = array<i32>} : memref<128x512xi32, #tpu.memory_space<vmem>>, vector<16xi32>,
      %gather3A_231 = tpu.vector_load_idx %arg12[%get3A_230] : memref<3072xf32, #tpu.memory_space<vmem>>[vector<16xi32>], vector<16xf32>,
      %add3A_232 = arith.addf %add3A_202, %gather3A_231 : vector<16xf32>
      %get3A_233 = arith.constant 55 : i32
      %get3A_234 = arith.index_cast %get3A_233 : i32 to index
      %get3A_235 = arith.index_cast %mul3A_10 : i32 to index
      %get3A_236 = tpu.vector_load %arg10[%get3A_234, %get3A_235] {strides = array<i32>} : memref<128x512xi32, #tpu.memory_space<vmem>>, vector<16xi32>,
      %gather3A_237 = tpu.vector_load_idx %arg13[%get3A_236] : memref<1024xf32, #tpu.memory_space<vmem>>[vector<16xi32>], vector<16xf32>,
      %add3A_238 = arith.addf %add3A_208, %gather3A_237 : vector<16xf32>
      %get3A_239 = arith.constant 79 : i32
      %get3A_240 = arith.index_cast %get3A_239 : i32 to index
      %get3A_241 = arith.index_cast %mul3A_10 : i32 to index
      %get3A_242 = tpu.vector_load %arg10[%get3A_240, %get3A_241] {strides = array<i32>} : memref<128x512xi32, #tpu.memory_space<vmem>>, vector<16xi32>,
      %gather3A_243 = tpu.vector_load_idx %arg14[%get3A_242] : memref<1024xf32, #tpu.memory_space<vmem>>[vector<16xi32>], vector<16xf32>,
      %add3A_244 = arith.addf %add3A_214, %gather3A_243 : vector<16xf32>
      %get3A_245 = arith.constant 103 : i32
      %get3A_246 = arith.index_cast %get3A_245 : i32 to index
      %get3A_247 = arith.index_cast %mul3A_10 : i32 to index
      %get3A_248 = tpu.vector_load %arg10[%get3A_246, %get3A_247] {strides = array<i32>} : memref<128x512xi32, #tpu.memory_space<vmem>>, vector<16xi32>,
      %gather3A_249 = tpu.vector_load_idx %arg15[%get3A_248] : memref<1024xf32, #tpu.memory_space<vmem>>[vector<16xi32>], vector<16xf32>,
      %add3A_250 = arith.addf %add3A_220, %gather3A_249 : vector<16xf32>
      %get3A_251 = arith.constant 8 : i32
      %get3A_252 = arith.index_cast %get3A_251 : i32 to index
      %get3A_253 = arith.index_cast %mul3A_10 : i32 to index
      %get3A_254 = tpu.vector_load %arg10[%get3A_252, %get3A_253] {strides = array<i32>} : memref<128x512xi32, #tpu.memory_space<vmem>>, vector<16xi32>,
      %gather3A_255 = tpu.vector_load_idx %arg11[%get3A_254] : memref<128xf32, #tpu.memory_space<vmem>>[vector<16xi32>], vector<16xf32>,
      %add3A_256 = arith.addf %add3A_226, %gather3A_255 : vector<16xf32>
      %get3A_257 = arith.constant 32 : i32
      %get3A_258 = arith.index_cast %get3A_257 : i32 to index
      %get3A_259 = arith.index_cast %mul3A_10 : i32 to index
      %get3A_260 = tpu.vector_load %arg10[%get3A_258, %get3A_259] {strides = array<i32>} : memref<128x512xi32, #tpu.memory_space<vmem>>, vector<16xi32>,
      %gather3A_261 = tpu.vector_load_idx %arg12[%get3A_260] : memref<3072xf32, #tpu.memory_space<vmem>>[vector<16xi32>], vector<16xf32>,
      %add3A_262 = arith.addf %add3A_232, %gather3A_261 : vector<16xf32>
      %get3A_263 = arith.constant 56 : i32
      %get3A_264 = arith.index_cast %get3A_263 : i32 to index
      %get3A_265 = arith.index_cast %mul3A_10 : i32 to index
      %get3A_266 = tpu.vector_load %arg10[%get3A_264, %get3A_265] {strides = array<i32>} : memref<128x512xi32, #tpu.memory_space<vmem>>, vector<16xi32>,
      %gather3A_267 = tpu.vector_load_idx %arg13[%get3A_266] : memref<1024xf32, #tpu.memory_space<vmem>>[vector<16xi32>], vector<16xf32>,
      %add3A_268 = arith.addf %add3A_238, %gather3A_267 : vector<16xf32>
      %get3A_269 = arith.constant 80 : i32
      %get3A_270 = arith.index_cast %get3A_269 : i32 to index
      %get3A_271 = arith.index_cast %mul3A_10 : i32 to index
      %get3A_272 = tpu.vector_load %arg10[%get3A_270, %get3A_271] {strides = array<i32>} : memref<128x512xi32, #tpu.memory_space<vmem>>, vector<16xi32>,
      %gather3A_273 = tpu.vector_load_idx %arg14[%get3A_272] : memref<1024xf32, #tpu.memory_space<vmem>>[vector<16xi32>], vector<16xf32>,
      %add3A_274 = arith.addf %add3A_244, %gather3A_273 : vector<16xf32>
      %get3A_275 = arith.constant 104 : i32
      %get3A_276 = arith.index_cast %get3A_275 : i32 to index
      %get3A_277 = arith.index_cast %mul3A_10 : i32 to index
      %get3A_278 = tpu.vector_load %arg10[%get3A_276, %get3A_277] {strides = array<i32>} : memref<128x512xi32, #tpu.memory_space<vmem>>, vector<16xi32>,
      %gather3A_279 = tpu.vector_load_idx %arg15[%get3A_278] : memref<1024xf32, #tpu.memory_space<vmem>>[vector<16xi32>], vector<16xf32>,
      %add3A_280 = arith.addf %add3A_250, %gather3A_279 : vector<16xf32>
      %get3A_281 = arith.constant 9 : i32
      %get3A_282 = arith.index_cast %get3A_281 : i32 to index
      %get3A_283 = arith.index_cast %mul3A_10 : i32 to index
      %get3A_284 = tpu.vector_load %arg10[%get3A_282, %get3A_283] {strides = array<i32>} : memref<128x512xi32, #tpu.memory_space<vmem>>, vector<16xi32>,
      %gather3A_285 = tpu.vector_load_idx %arg11[%get3A_284] : memref<128xf32, #tpu.memory_space<vmem>>[vector<16xi32>], vector<16xf32>,
      %add3A_286 = arith.addf %add3A_256, %gather3A_285 : vector<16xf32>
      %get3A_287 = arith.constant 33 : i32
      %get3A_288 = arith.index_cast %get3A_287 : i32 to index
      %get3A_289 = arith.index_cast %mul3A_10 : i32 to index
      %get3A_290 = tpu.vector_load %arg10[%get3A_288, %get3A_289] {strides = array<i32>} : memref<128x512xi32, #tpu.memory_space<vmem>>, vector<16xi32>,
      %gather3A_291 = tpu.vector_load_idx %arg12[%get3A_290] : memref<3072xf32, #tpu.memory_space<vmem>>[vector<16xi32>], vector<16xf32>,
      %add3A_292 = arith.addf %add3A_262, %gather3A_291 : vector<16xf32>
      %get3A_293 = arith.constant 57 : i32
      %get3A_294 = arith.index_cast %get3A_293 : i32 to index
      %get3A_295 = arith.index_cast %mul3A_10 : i32 to index
      %get3A_296 = tpu.vector_load %arg10[%get3A_294, %get3A_295] {strides = array<i32>} : memref<128x512xi32, #tpu.memory_space<vmem>>, vector<16xi32>,
      %gather3A_297 = tpu.vector_load_idx %arg13[%get3A_296] : memref<1024xf32, #tpu.memory_space<vmem>>[vector<16xi32>], vector<16xf32>,
      %add3A_298 = arith.addf %add3A_268, %gather3A_297 : vector<16xf32>
      %get3A_299 = arith.constant 81 : i32
      %get3A_300 = arith.index_cast %get3A_299 : i32 to index
      %get3A_301 = arith.index_cast %mul3A_10 : i32 to index
      %get3A_302 = tpu.vector_load %arg10[%get3A_300, %get3A_301] {strides = array<i32>} : memref<128x512xi32, #tpu.memory_space<vmem>>, vector<16xi32>,
      %gather3A_303 = tpu.vector_load_idx %arg14[%get3A_302] : memref<1024xf32, #tpu.memory_space<vmem>>[vector<16xi32>], vector<16xf32>,
      %add3A_304 = arith.addf %add3A_274, %gather3A_303 : vector<16xf32>
      %get3A_305 = arith.constant 105 : i32
      %get3A_306 = arith.index_cast %get3A_305 : i32 to index
      %get3A_307 = arith.index_cast %mul3A_10 : i32 to index
      %get3A_308 = tpu.vector_load %arg10[%get3A_306, %get3A_307] {strides = array<i32>} : memref<128x512xi32, #tpu.memory_space<vmem>>, vector<16xi32>,
      %gather3A_309 = tpu.vector_load_idx %arg15[%get3A_308] : memref<1024xf32, #tpu.memory_space<vmem>>[vector<16xi32>], vector<16xf32>,
      %add3A_310 = arith.addf %add3A_280, %gather3A_309 : vector<16xf32>
      %get3A_311 = arith.constant 10 : i32
      %get3A_312 = arith.index_cast %get3A_311 : i32 to index
      %get3A_313 = arith.index_cast %mul3A_10 : i32 to index
      %get3A_314 = tpu.vector_load %arg10[%get3A_312, %get3A_313] {strides = array<i32>} : memref<128x512xi32, #tpu.memory_space<vmem>>, vector<16xi32>,
      %gather3A_315 = tpu.vector_load_idx %arg11[%get3A_314] : memref<128xf32, #tpu.memory_space<vmem>>[vector<16xi32>], vector<16xf32>,
      %add3A_316 = arith.addf %add3A_286, %gather3A_315 : vector<16xf32>
      %get3A_317 = arith.constant 34 : i32
      %get3A_318 = arith.index_cast %get3A_317 : i32 to index
      %get3A_319 = arith.index_cast %mul3A_10 : i32 to index
      %get3A_320 = tpu.vector_load %arg10[%get3A_318, %get3A_319] {strides = array<i32>} : memref<128x512xi32, #tpu.memory_space<vmem>>, vector<16xi32>,
      %gather3A_321 = tpu.vector_load_idx %arg12[%get3A_320] : memref<3072xf32, #tpu.memory_space<vmem>>[vector<16xi32>], vector<16xf32>,
      %add3A_322 = arith.addf %add3A_292, %gather3A_321 : vector<16xf32>
      %get3A_323 = arith.constant 58 : i32
      %get3A_324 = arith.index_cast %get3A_323 : i32 to index
      %get3A_325 = arith.index_cast %mul3A_10 : i32 to index
      %get3A_326 = tpu.vector_load %arg10[%get3A_324, %get3A_325] {strides = array<i32>} : memref<128x512xi32, #tpu.memory_space<vmem>>, vector<16xi32>,
      %gather3A_327 = tpu.vector_load_idx %arg13[%get3A_326] : memref<1024xf32, #tpu.memory_space<vmem>>[vector<16xi32>], vector<16xf32>,
      %add3A_328 = arith.addf %add3A_298, %gather3A_327 : vector<16xf32>
      %get3A_329 = arith.constant 82 : i32
      %get3A_330 = arith.index_cast %get3A_329 : i32 to index
      %get3A_331 = arith.index_cast %mul3A_10 : i32 to index
      %get3A_332 = tpu.vector_load %arg10[%get3A_330, %get3A_331] {strides = array<i32>} : memref<128x512xi32, #tpu.memory_space<vmem>>, vector<16xi32>,
      %gather3A_333 = tpu.vector_load_idx %arg14[%get3A_332] : memref<1024xf32, #tpu.memory_space<vmem>>[vector<16xi32>], vector<16xf32>,
      %add3A_334 = arith.addf %add3A_304, %gather3A_333 : vector<16xf32>
      %get3A_335 = arith.constant 106 : i32
      %get3A_336 = arith.index_cast %get3A_335 : i32 to index
      %get3A_337 = arith.index_cast %mul3A_10 : i32 to index
      %get3A_338 = tpu.vector_load %arg10[%get3A_336, %get3A_337] {strides = array<i32>} : memref<128x512xi32, #tpu.memory_space<vmem>>, vector<16xi32>,
      %gather3A_339 = tpu.vector_load_idx %arg15[%get3A_338] : memref<1024xf32, #tpu.memory_space<vmem>>[vector<16xi32>], vector<16xf32>,
      %add3A_340 = arith.addf %add3A_310, %gather3A_339 : vector<16xf32>
      %get3A_341 = arith.constant 11 : i32
      %get3A_342 = arith.index_cast %get3A_341 : i32 to index
      %get3A_343 = arith.index_cast %mul3A_10 : i32 to index
      %get3A_344 = tpu.vector_load %arg10[%get3A_342, %get3A_343] {strides = array<i32>} : memref<128x512xi32, #tpu.memory_space<vmem>>, vector<16xi32>,
      %gather3A_345 = tpu.vector_load_idx %arg11[%get3A_344] : memref<128xf32, #tpu.memory_space<vmem>>[vector<16xi32>], vector<16xf32>,
      %add3A_346 = arith.addf %add3A_316, %gather3A_345 : vector<16xf32>
      %get3A_347 = arith.constant 35 : i32
      %get3A_348 = arith.index_cast %get3A_347 : i32 to index
      %get3A_349 = arith.index_cast %mul3A_10 : i32 to index
      %get3A_350 = tpu.vector_load %arg10[%get3A_348, %get3A_349] {strides = array<i32>} : memref<128x512xi32, #tpu.memory_space<vmem>>, vector<16xi32>,
      %gather3A_351 = tpu.vector_load_idx %arg12[%get3A_350] : memref<3072xf32, #tpu.memory_space<vmem>>[vector<16xi32>], vector<16xf32>,
      %add3A_352 = arith.addf %add3A_322, %gather3A_351 : vector<16xf32>
      %get3A_353 = arith.constant 59 : i32
      %get3A_354 = arith.index_cast %get3A_353 : i32 to index
      %get3A_355 = arith.index_cast %mul3A_10 : i32 to index
      %get3A_356 = tpu.vector_load %arg10[%get3A_354, %get3A_355] {strides = array<i32>} : memref<128x512xi32, #tpu.memory_space<vmem>>, vector<16xi32>,
      %gather3A_357 = tpu.vector_load_idx %arg13[%get3A_356] : memref<1024xf32, #tpu.memory_space<vmem>>[vector<16xi32>], vector<16xf32>,
      %add3A_358 = arith.addf %add3A_328, %gather3A_357 : vector<16xf32>
      %get3A_359 = arith.constant 83 : i32
      %get3A_360 = arith.index_cast %get3A_359 : i32 to index
      %get3A_361 = arith.index_cast %mul3A_10 : i32 to index
      %get3A_362 = tpu.vector_load %arg10[%get3A_360, %get3A_361] {strides = array<i32>} : memref<128x512xi32, #tpu.memory_space<vmem>>, vector<16xi32>,
      %gather3A_363 = tpu.vector_load_idx %arg14[%get3A_362] : memref<1024xf32, #tpu.memory_space<vmem>>[vector<16xi32>], vector<16xf32>,
      %add3A_364 = arith.addf %add3A_334, %gather3A_363 : vector<16xf32>
      %get3A_365 = arith.constant 107 : i32
      %get3A_366 = arith.index_cast %get3A_365 : i32 to index
      %get3A_367 = arith.index_cast %mul3A_10 : i32 to index
      %get3A_368 = tpu.vector_load %arg10[%get3A_366, %get3A_367] {strides = array<i32>} : memref<128x512xi32, #tpu.memory_space<vmem>>, vector<16xi32>,
      %gather3A_369 = tpu.vector_load_idx %arg15[%get3A_368] : memref<1024xf32, #tpu.memory_space<vmem>>[vector<16xi32>], vector<16xf32>,
      %add3A_370 = arith.addf %add3A_340, %gather3A_369 : vector<16xf32>
      %get3A_371 = arith.constant 12 : i32
      %get3A_372 = arith.index_cast %get3A_371 : i32 to index
      %get3A_373 = arith.index_cast %mul3A_10 : i32 to index
      %get3A_374 = tpu.vector_load %arg10[%get3A_372, %get3A_373] {strides = array<i32>} : memref<128x512xi32, #tpu.memory_space<vmem>>, vector<16xi32>,
      %gather3A_375 = tpu.vector_load_idx %arg11[%get3A_374] : memref<128xf32, #tpu.memory_space<vmem>>[vector<16xi32>], vector<16xf32>,
      %add3A_376 = arith.addf %add3A_346, %gather3A_375 : vector<16xf32>
      %get3A_377 = arith.constant 36 : i32
      %get3A_378 = arith.index_cast %get3A_377 : i32 to index
      %get3A_379 = arith.index_cast %mul3A_10 : i32 to index
      %get3A_380 = tpu.vector_load %arg10[%get3A_378, %get3A_379] {strides = array<i32>} : memref<128x512xi32, #tpu.memory_space<vmem>>, vector<16xi32>,
      %gather3A_381 = tpu.vector_load_idx %arg12[%get3A_380] : memref<3072xf32, #tpu.memory_space<vmem>>[vector<16xi32>], vector<16xf32>,
      %add3A_382 = arith.addf %add3A_352, %gather3A_381 : vector<16xf32>
      %get3A_383 = arith.constant 60 : i32
      %get3A_384 = arith.index_cast %get3A_383 : i32 to index
      %get3A_385 = arith.index_cast %mul3A_10 : i32 to index
      %get3A_386 = tpu.vector_load %arg10[%get3A_384, %get3A_385] {strides = array<i32>} : memref<128x512xi32, #tpu.memory_space<vmem>>, vector<16xi32>,
      %gather3A_387 = tpu.vector_load_idx %arg13[%get3A_386] : memref<1024xf32, #tpu.memory_space<vmem>>[vector<16xi32>], vector<16xf32>,
      %add3A_388 = arith.addf %add3A_358, %gather3A_387 : vector<16xf32>
      %get3A_389 = arith.constant 84 : i32
      %get3A_390 = arith.index_cast %get3A_389 : i32 to index
      %get3A_391 = arith.index_cast %mul3A_10 : i32 to index
      %get3A_392 = tpu.vector_load %arg10[%get3A_390, %get3A_391] {strides = array<i32>} : memref<128x512xi32, #tpu.memory_space<vmem>>, vector<16xi32>,
      %gather3A_393 = tpu.vector_load_idx %arg14[%get3A_392] : memref<1024xf32, #tpu.memory_space<vmem>>[vector<16xi32>], vector<16xf32>,
      %add3A_394 = arith.addf %add3A_364, %gather3A_393 : vector<16xf32>
      %get3A_395 = arith.constant 108 : i32
      %get3A_396 = arith.index_cast %get3A_395 : i32 to index
      %get3A_397 = arith.index_cast %mul3A_10 : i32 to index
      %get3A_398 = tpu.vector_load %arg10[%get3A_396, %get3A_397] {strides = array<i32>} : memref<128x512xi32, #tpu.memory_space<vmem>>, vector<16xi32>,
      %gather3A_399 = tpu.vector_load_idx %arg15[%get3A_398] : memref<1024xf32, #tpu.memory_space<vmem>>[vector<16xi32>], vector<16xf32>,
      %add3A_400 = arith.addf %add3A_370, %gather3A_399 : vector<16xf32>
      %get3A_401 = arith.constant 13 : i32
      %get3A_402 = arith.index_cast %get3A_401 : i32 to index
      %get3A_403 = arith.index_cast %mul3A_10 : i32 to index
      %get3A_404 = tpu.vector_load %arg10[%get3A_402, %get3A_403] {strides = array<i32>} : memref<128x512xi32, #tpu.memory_space<vmem>>, vector<16xi32>,
      %gather3A_405 = tpu.vector_load_idx %arg11[%get3A_404] : memref<128xf32, #tpu.memory_space<vmem>>[vector<16xi32>], vector<16xf32>,
      %add3A_406 = arith.addf %add3A_376, %gather3A_405 : vector<16xf32>
      %get3A_407 = arith.constant 37 : i32
      %get3A_408 = arith.index_cast %get3A_407 : i32 to index
      %get3A_409 = arith.index_cast %mul3A_10 : i32 to index
      %get3A_410 = tpu.vector_load %arg10[%get3A_408, %get3A_409] {strides = array<i32>} : memref<128x512xi32, #tpu.memory_space<vmem>>, vector<16xi32>,
      %gather3A_411 = tpu.vector_load_idx %arg12[%get3A_410] : memref<3072xf32, #tpu.memory_space<vmem>>[vector<16xi32>], vector<16xf32>,
      %add3A_412 = arith.addf %add3A_382, %gather3A_411 : vector<16xf32>
      %get3A_413 = arith.constant 61 : i32
      %get3A_414 = arith.index_cast %get3A_413 : i32 to index
      %get3A_415 = arith.index_cast %mul3A_10 : i32 to index
      %get3A_416 = tpu.vector_load %arg10[%get3A_414, %get3A_415] {strides = array<i32>} : memref<128x512xi32, #tpu.memory_space<vmem>>, vector<16xi32>,
      %gather3A_417 = tpu.vector_load_idx %arg13[%get3A_416] : memref<1024xf32, #tpu.memory_space<vmem>>[vector<16xi32>], vector<16xf32>,
      %add3A_418 = arith.addf %add3A_388, %gather3A_417 : vector<16xf32>
      %get3A_419 = arith.constant 85 : i32
      %get3A_420 = arith.index_cast %get3A_419 : i32 to index
      %get3A_421 = arith.index_cast %mul3A_10 : i32 to index
      %get3A_422 = tpu.vector_load %arg10[%get3A_420, %get3A_421] {strides = array<i32>} : memref<128x512xi32, #tpu.memory_space<vmem>>, vector<16xi32>,
      %gather3A_423 = tpu.vector_load_idx %arg14[%get3A_422] : memref<1024xf32, #tpu.memory_space<vmem>>[vector<16xi32>], vector<16xf32>,
      %add3A_424 = arith.addf %add3A_394, %gather3A_423 : vector<16xf32>
      %get3A_425 = arith.constant 109 : i32
      %get3A_426 = arith.index_cast %get3A_425 : i32 to index
      %get3A_427 = arith.index_cast %mul3A_10 : i32 to index
      %get3A_428 = tpu.vector_load %arg10[%get3A_426, %get3A_427] {strides = array<i32>} : memref<128x512xi32, #tpu.memory_space<vmem>>, vector<16xi32>,
      %gather3A_429 = tpu.vector_load_idx %arg15[%get3A_428] : memref<1024xf32, #tpu.memory_space<vmem>>[vector<16xi32>], vector<16xf32>,
      %add3A_430 = arith.addf %add3A_400, %gather3A_429 : vector<16xf32>
      %get3A_431 = arith.constant 14 : i32
      %get3A_432 = arith.index_cast %get3A_431 : i32 to index
      %get3A_433 = arith.index_cast %mul3A_10 : i32 to index
      %get3A_434 = tpu.vector_load %arg10[%get3A_432, %get3A_433] {strides = array<i32>} : memref<128x512xi32, #tpu.memory_space<vmem>>, vector<16xi32>,
      %gather3A_435 = tpu.vector_load_idx %arg11[%get3A_434] : memref<128xf32, #tpu.memory_space<vmem>>[vector<16xi32>], vector<16xf32>,
      %add3A_436 = arith.addf %add3A_406, %gather3A_435 : vector<16xf32>
      %get3A_437 = arith.constant 38 : i32
      %get3A_438 = arith.index_cast %get3A_437 : i32 to index
      %get3A_439 = arith.index_cast %mul3A_10 : i32 to index
      %get3A_440 = tpu.vector_load %arg10[%get3A_438, %get3A_439] {strides = array<i32>} : memref<128x512xi32, #tpu.memory_space<vmem>>, vector<16xi32>,
      %gather3A_441 = tpu.vector_load_idx %arg12[%get3A_440] : memref<3072xf32, #tpu.memory_space<vmem>>[vector<16xi32>], vector<16xf32>,
      %add3A_442 = arith.addf %add3A_412, %gather3A_441 : vector<16xf32>
      %get3A_443 = arith.constant 62 : i32
      %get3A_444 = arith.index_cast %get3A_443 : i32 to index
      %get3A_445 = arith.index_cast %mul3A_10 : i32 to index
      %get3A_446 = tpu.vector_load %arg10[%get3A_444, %get3A_445] {strides = array<i32>} : memref<128x512xi32, #tpu.memory_space<vmem>>, vector<16xi32>,
      %gather3A_447 = tpu.vector_load_idx %arg13[%get3A_446] : memref<1024xf32, #tpu.memory_space<vmem>>[vector<16xi32>], vector<16xf32>,
      %add3A_448 = arith.addf %add3A_418, %gather3A_447 : vector<16xf32>
      %get3A_449 = arith.constant 86 : i32
      %get3A_450 = arith.index_cast %get3A_449 : i32 to index
      %get3A_451 = arith.index_cast %mul3A_10 : i32 to index
      %get3A_452 = tpu.vector_load %arg10[%get3A_450, %get3A_451] {strides = array<i32>} : memref<128x512xi32, #tpu.memory_space<vmem>>, vector<16xi32>,
      %gather3A_453 = tpu.vector_load_idx %arg14[%get3A_452] : memref<1024xf32, #tpu.memory_space<vmem>>[vector<16xi32>], vector<16xf32>,
      %add3A_454 = arith.addf %add3A_424, %gather3A_453 : vector<16xf32>
      %get3A_455 = arith.constant 110 : i32
      %get3A_456 = arith.index_cast %get3A_455 : i32 to index
      %get3A_457 = arith.index_cast %mul3A_10 : i32 to index
      %get3A_458 = tpu.vector_load %arg10[%get3A_456, %get3A_457] {strides = array<i32>} : memref<128x512xi32, #tpu.memory_space<vmem>>, vector<16xi32>,
      %gather3A_459 = tpu.vector_load_idx %arg15[%get3A_458] : memref<1024xf32, #tpu.memory_space<vmem>>[vector<16xi32>], vector<16xf32>,
      %add3A_460 = arith.addf %add3A_430, %gather3A_459 : vector<16xf32>
      %get3A_461 = arith.constant 15 : i32
      %get3A_462 = arith.index_cast %get3A_461 : i32 to index
      %get3A_463 = arith.index_cast %mul3A_10 : i32 to index
      %get3A_464 = tpu.vector_load %arg10[%get3A_462, %get3A_463] {strides = array<i32>} : memref<128x512xi32, #tpu.memory_space<vmem>>, vector<16xi32>,
      %gather3A_465 = tpu.vector_load_idx %arg11[%get3A_464] : memref<128xf32, #tpu.memory_space<vmem>>[vector<16xi32>], vector<16xf32>,
      %add3A_466 = arith.addf %add3A_436, %gather3A_465 : vector<16xf32>
      %get3A_467 = arith.constant 39 : i32
      %get3A_468 = arith.index_cast %get3A_467 : i32 to index
      %get3A_469 = arith.index_cast %mul3A_10 : i32 to index
      %get3A_470 = tpu.vector_load %arg10[%get3A_468, %get3A_469] {strides = array<i32>} : memref<128x512xi32, #tpu.memory_space<vmem>>, vector<16xi32>,
      %gather3A_471 = tpu.vector_load_idx %arg12[%get3A_470] : memref<3072xf32, #tpu.memory_space<vmem>>[vector<16xi32>], vector<16xf32>,
      %add3A_472 = arith.addf %add3A_442, %gather3A_471 : vector<16xf32>
      %get3A_473 = arith.constant 63 : i32
      %get3A_474 = arith.index_cast %get3A_473 : i32 to index
      %get3A_475 = arith.index_cast %mul3A_10 : i32 to index
      %get3A_476 = tpu.vector_load %arg10[%get3A_474, %get3A_475] {strides = array<i32>} : memref<128x512xi32, #tpu.memory_space<vmem>>, vector<16xi32>,
      %gather3A_477 = tpu.vector_load_idx %arg13[%get3A_476] : memref<1024xf32, #tpu.memory_space<vmem>>[vector<16xi32>], vector<16xf32>,
      %add3A_478 = arith.addf %add3A_448, %gather3A_477 : vector<16xf32>
      %get3A_479 = arith.constant 87 : i32
      %get3A_480 = arith.index_cast %get3A_479 : i32 to index
      %get3A_481 = arith.index_cast %mul3A_10 : i32 to index
      %get3A_482 = tpu.vector_load %arg10[%get3A_480, %get3A_481] {strides = array<i32>} : memref<128x512xi32, #tpu.memory_space<vmem>>, vector<16xi32>,
      %gather3A_483 = tpu.vector_load_idx %arg14[%get3A_482] : memref<1024xf32, #tpu.memory_space<vmem>>[vector<16xi32>], vector<16xf32>,
      %add3A_484 = arith.addf %add3A_454, %gather3A_483 : vector<16xf32>
      %get3A_485 = arith.constant 111 : i32
      %get3A_486 = arith.index_cast %get3A_485 : i32 to index
      %get3A_487 = arith.index_cast %mul3A_10 : i32 to index
      %get3A_488 = tpu.vector_load %arg10[%get3A_486, %get3A_487] {strides = array<i32>} : memref<128x512xi32, #tpu.memory_space<vmem>>, vector<16xi32>,
      %gather3A_489 = tpu.vector_load_idx %arg15[%get3A_488] : memref<1024xf32, #tpu.memory_space<vmem>>[vector<16xi32>], vector<16xf32>,
      %add3A_490 = arith.addf %add3A_460, %gather3A_489 : vector<16xf32>
      %get3A_491 = arith.constant 16 : i32
      %get3A_492 = arith.index_cast %get3A_491 : i32 to index
      %get3A_493 = arith.index_cast %mul3A_10 : i32 to index
      %get3A_494 = tpu.vector_load %arg10[%get3A_492, %get3A_493] {strides = array<i32>} : memref<128x512xi32, #tpu.memory_space<vmem>>, vector<16xi32>,
      %gather3A_495 = tpu.vector_load_idx %arg11[%get3A_494] : memref<128xf32, #tpu.memory_space<vmem>>[vector<16xi32>], vector<16xf32>,
      %add3A_496 = arith.addf %add3A_466, %gather3A_495 : vector<16xf32>
      %get3A_497 = arith.constant 40 : i32
      %get3A_498 = arith.index_cast %get3A_497 : i32 to index
      %get3A_499 = arith.index_cast %mul3A_10 : i32 to index
      %get3A_500 = tpu.vector_load %arg10[%get3A_498, %get3A_499] {strides = array<i32>} : memref<128x512xi32, #tpu.memory_space<vmem>>, vector<16xi32>,
      %gather3A_501 = tpu.vector_load_idx %arg12[%get3A_500] : memref<3072xf32, #tpu.memory_space<vmem>>[vector<16xi32>], vector<16xf32>,
      %add3A_502 = arith.addf %add3A_472, %gather3A_501 : vector<16xf32>
      %get3A_503 = arith.constant 64 : i32
      %get3A_504 = arith.index_cast %get3A_503 : i32 to index
      %get3A_505 = arith.index_cast %mul3A_10 : i32 to index
      %get3A_506 = tpu.vector_load %arg10[%get3A_504, %get3A_505] {strides = array<i32>} : memref<128x512xi32, #tpu.memory_space<vmem>>, vector<16xi32>,
      %gather3A_507 = tpu.vector_load_idx %arg13[%get3A_506] : memref<1024xf32, #tpu.memory_space<vmem>>[vector<16xi32>], vector<16xf32>,
      %add3A_508 = arith.addf %add3A_478, %gather3A_507 : vector<16xf32>
      %get3A_509 = arith.constant 88 : i32
      %get3A_510 = arith.index_cast %get3A_509 : i32 to index
      %get3A_511 = arith.index_cast %mul3A_10 : i32 to index
      %get3A_512 = tpu.vector_load %arg10[%get3A_510, %get3A_511] {strides = array<i32>} : memref<128x512xi32, #tpu.memory_space<vmem>>, vector<16xi32>,
      %gather3A_513 = tpu.vector_load_idx %arg14[%get3A_512] : memref<1024xf32, #tpu.memory_space<vmem>>[vector<16xi32>], vector<16xf32>,
      %add3A_514 = arith.addf %add3A_484, %gather3A_513 : vector<16xf32>
      %get3A_515 = arith.constant 112 : i32
      %get3A_516 = arith.index_cast %get3A_515 : i32 to index
      %get3A_517 = arith.index_cast %mul3A_10 : i32 to index
      %get3A_518 = tpu.vector_load %arg10[%get3A_516, %get3A_517] {strides = array<i32>} : memref<128x512xi32, #tpu.memory_space<vmem>>, vector<16xi32>,
      %gather3A_519 = tpu.vector_load_idx %arg15[%get3A_518] : memref<1024xf32, #tpu.memory_space<vmem>>[vector<16xi32>], vector<16xf32>,
      %add3A_520 = arith.addf %add3A_490, %gather3A_519 : vector<16xf32>
      %get3A_521 = arith.constant 17 : i32
      %get3A_522 = arith.index_cast %get3A_521 : i32 to index
      %get3A_523 = arith.index_cast %mul3A_10 : i32 to index
      %get3A_524 = tpu.vector_load %arg10[%get3A_522, %get3A_523] {strides = array<i32>} : memref<128x512xi32, #tpu.memory_space<vmem>>, vector<16xi32>,
      %gather3A_525 = tpu.vector_load_idx %arg11[%get3A_524] : memref<128xf32, #tpu.memory_space<vmem>>[vector<16xi32>], vector<16xf32>,
      %add3A_526 = arith.addf %add3A_496, %gather3A_525 : vector<16xf32>
      %get3A_527 = arith.constant 41 : i32
      %get3A_528 = arith.index_cast %get3A_527 : i32 to index
      %get3A_529 = arith.index_cast %mul3A_10 : i32 to index
      %get3A_530 = tpu.vector_load %arg10[%get3A_528, %get3A_529] {strides = array<i32>} : memref<128x512xi32, #tpu.memory_space<vmem>>, vector<16xi32>,
      %gather3A_531 = tpu.vector_load_idx %arg12[%get3A_530] : memref<3072xf32, #tpu.memory_space<vmem>>[vector<16xi32>], vector<16xf32>,
      %add3A_532 = arith.addf %add3A_502, %gather3A_531 : vector<16xf32>
      %get3A_533 = arith.constant 65 : i32
      %get3A_534 = arith.index_cast %get3A_533 : i32 to index
      %get3A_535 = arith.index_cast %mul3A_10 : i32 to index
      %get3A_536 = tpu.vector_load %arg10[%get3A_534, %get3A_535] {strides = array<i32>} : memref<128x512xi32, #tpu.memory_space<vmem>>, vector<16xi32>,
      %gather3A_537 = tpu.vector_load_idx %arg13[%get3A_536] : memref<1024xf32, #tpu.memory_space<vmem>>[vector<16xi32>], vector<16xf32>,
      %add3A_538 = arith.addf %add3A_508, %gather3A_537 : vector<16xf32>
      %get3A_539 = arith.constant 89 : i32
      %get3A_540 = arith.index_cast %get3A_539 : i32 to index
      %get3A_541 = arith.index_cast %mul3A_10 : i32 to index
      %get3A_542 = tpu.vector_load %arg10[%get3A_540, %get3A_541] {strides = array<i32>} : memref<128x512xi32, #tpu.memory_space<vmem>>, vector<16xi32>,
      %gather3A_543 = tpu.vector_load_idx %arg14[%get3A_542] : memref<1024xf32, #tpu.memory_space<vmem>>[vector<16xi32>], vector<16xf32>,
      %add3A_544 = arith.addf %add3A_514, %gather3A_543 : vector<16xf32>
      %get3A_545 = arith.constant 113 : i32
      %get3A_546 = arith.index_cast %get3A_545 : i32 to index
      %get3A_547 = arith.index_cast %mul3A_10 : i32 to index
      %get3A_548 = tpu.vector_load %arg10[%get3A_546, %get3A_547] {strides = array<i32>} : memref<128x512xi32, #tpu.memory_space<vmem>>, vector<16xi32>,
      %gather3A_549 = tpu.vector_load_idx %arg15[%get3A_548] : memref<1024xf32, #tpu.memory_space<vmem>>[vector<16xi32>], vector<16xf32>,
      %add3A_550 = arith.addf %add3A_520, %gather3A_549 : vector<16xf32>
      %get3A_551 = arith.constant 18 : i32
      %get3A_552 = arith.index_cast %get3A_551 : i32 to index
      %get3A_553 = arith.index_cast %mul3A_10 : i32 to index
      %get3A_554 = tpu.vector_load %arg10[%get3A_552, %get3A_553] {strides = array<i32>} : memref<128x512xi32, #tpu.memory_space<vmem>>, vector<16xi32>,
      %gather3A_555 = tpu.vector_load_idx %arg11[%get3A_554] : memref<128xf32, #tpu.memory_space<vmem>>[vector<16xi32>], vector<16xf32>,
      %add3A_556 = arith.addf %add3A_526, %gather3A_555 : vector<16xf32>
      %get3A_557 = arith.constant 42 : i32
      %get3A_558 = arith.index_cast %get3A_557 : i32 to index
      %get3A_559 = arith.index_cast %mul3A_10 : i32 to index
      %get3A_560 = tpu.vector_load %arg10[%get3A_558, %get3A_559] {strides = array<i32>} : memref<128x512xi32, #tpu.memory_space<vmem>>, vector<16xi32>,
      %gather3A_561 = tpu.vector_load_idx %arg12[%get3A_560] : memref<3072xf32, #tpu.memory_space<vmem>>[vector<16xi32>], vector<16xf32>,
      %add3A_562 = arith.addf %add3A_532, %gather3A_561 : vector<16xf32>
      %get3A_563 = arith.constant 66 : i32
      %get3A_564 = arith.index_cast %get3A_563 : i32 to index
      %get3A_565 = arith.index_cast %mul3A_10 : i32 to index
      %get3A_566 = tpu.vector_load %arg10[%get3A_564, %get3A_565] {strides = array<i32>} : memref<128x512xi32, #tpu.memory_space<vmem>>, vector<16xi32>,
      %gather3A_567 = tpu.vector_load_idx %arg13[%get3A_566] : memref<1024xf32, #tpu.memory_space<vmem>>[vector<16xi32>], vector<16xf32>,
      %add3A_568 = arith.addf %add3A_538, %gather3A_567 : vector<16xf32>
      %get3A_569 = arith.constant 90 : i32
      %get3A_570 = arith.index_cast %get3A_569 : i32 to index
      %get3A_571 = arith.index_cast %mul3A_10 : i32 to index
      %get3A_572 = tpu.vector_load %arg10[%get3A_570, %get3A_571] {strides = array<i32>} : memref<128x512xi32, #tpu.memory_space<vmem>>, vector<16xi32>,
      %gather3A_573 = tpu.vector_load_idx %arg14[%get3A_572] : memref<1024xf32, #tpu.memory_space<vmem>>[vector<16xi32>], vector<16xf32>,
      %add3A_574 = arith.addf %add3A_544, %gather3A_573 : vector<16xf32>
      %get3A_575 = arith.constant 114 : i32
      %get3A_576 = arith.index_cast %get3A_575 : i32 to index
      %get3A_577 = arith.index_cast %mul3A_10 : i32 to index
      %get3A_578 = tpu.vector_load %arg10[%get3A_576, %get3A_577] {strides = array<i32>} : memref<128x512xi32, #tpu.memory_space<vmem>>, vector<16xi32>,
      %gather3A_579 = tpu.vector_load_idx %arg15[%get3A_578] : memref<1024xf32, #tpu.memory_space<vmem>>[vector<16xi32>], vector<16xf32>,
      %add3A_580 = arith.addf %add3A_550, %gather3A_579 : vector<16xf32>
      %get3A_581 = arith.constant 19 : i32
      %get3A_582 = arith.index_cast %get3A_581 : i32 to index
      %get3A_583 = arith.index_cast %mul3A_10 : i32 to index
      %get3A_584 = tpu.vector_load %arg10[%get3A_582, %get3A_583] {strides = array<i32>} : memref<128x512xi32, #tpu.memory_space<vmem>>, vector<16xi32>,
      %gather3A_585 = tpu.vector_load_idx %arg11[%get3A_584] : memref<128xf32, #tpu.memory_space<vmem>>[vector<16xi32>], vector<16xf32>,
      %add3A_586 = arith.addf %add3A_556, %gather3A_585 : vector<16xf32>
      %get3A_587 = arith.constant 43 : i32
      %get3A_588 = arith.index_cast %get3A_587 : i32 to index
      %get3A_589 = arith.index_cast %mul3A_10 : i32 to index
      %get3A_590 = tpu.vector_load %arg10[%get3A_588, %get3A_589] {strides = array<i32>} : memref<128x512xi32, #tpu.memory_space<vmem>>, vector<16xi32>,
      %gather3A_591 = tpu.vector_load_idx %arg12[%get3A_590] : memref<3072xf32, #tpu.memory_space<vmem>>[vector<16xi32>], vector<16xf32>,
      %add3A_592 = arith.addf %add3A_562, %gather3A_591 : vector<16xf32>
      %get3A_593 = arith.constant 67 : i32
      %get3A_594 = arith.index_cast %get3A_593 : i32 to index
      %get3A_595 = arith.index_cast %mul3A_10 : i32 to index
      %get3A_596 = tpu.vector_load %arg10[%get3A_594, %get3A_595] {strides = array<i32>} : memref<128x512xi32, #tpu.memory_space<vmem>>, vector<16xi32>,
      %gather3A_597 = tpu.vector_load_idx %arg13[%get3A_596] : memref<1024xf32, #tpu.memory_space<vmem>>[vector<16xi32>], vector<16xf32>,
      %add3A_598 = arith.addf %add3A_568, %gather3A_597 : vector<16xf32>
      %get3A_599 = arith.constant 91 : i32
      %get3A_600 = arith.index_cast %get3A_599 : i32 to index
      %get3A_601 = arith.index_cast %mul3A_10 : i32 to index
      %get3A_602 = tpu.vector_load %arg10[%get3A_600, %get3A_601] {strides = array<i32>} : memref<128x512xi32, #tpu.memory_space<vmem>>, vector<16xi32>,
      %gather3A_603 = tpu.vector_load_idx %arg14[%get3A_602] : memref<1024xf32, #tpu.memory_space<vmem>>[vector<16xi32>], vector<16xf32>,
      %add3A_604 = arith.addf %add3A_574, %gather3A_603 : vector<16xf32>
      %get3A_605 = arith.constant 115 : i32
      %get3A_606 = arith.index_cast %get3A_605 : i32 to index
      %get3A_607 = arith.index_cast %mul3A_10 : i32 to index
      %get3A_608 = tpu.vector_load %arg10[%get3A_606, %get3A_607] {strides = array<i32>} : memref<128x512xi32, #tpu.memory_space<vmem>>, vector<16xi32>,
      %gather3A_609 = tpu.vector_load_idx %arg15[%get3A_608] : memref<1024xf32, #tpu.memory_space<vmem>>[vector<16xi32>], vector<16xf32>,
      %add3A_610 = arith.addf %add3A_580, %gather3A_609 : vector<16xf32>
      %add3A_611 = arith.addf %add3A_586, %add3A_592 : vector<16xf32>
      %add3A_612 = arith.addf %add3A_598, %add3A_604 : vector<16xf32>
      %add3A_613 = arith.addf %add3A_611, %add3A_612 : vector<16xf32>
      %add3A_614 = arith.addf %add3A_613, %add3A_610 : vector<16xf32>
      %swap3A = arith.index_cast %mul3A_10 : i32 to index
      %swap3A_615 = tpu.vector_load %arg17[%swap3A] {strides = array<i32>} : memref<512xf32, #tpu.memory_space<vmem>>, vector<16xf32>,
      tpu.vector_store %arg17[%swap3A], %add3A_614 {strides = array<i32>} : memref<512xf32, #tpu.memory_space<vmem>>, vector<16xf32>,
    }
    %scan3A_7 = arith.constant 32 : i32
    "tpu.region"() ({
      %run_scoped3A = tpu.sem_alloc : memref<!tpu.dma_semaphore, #tpu.memory_space<semaphore_mem>>
      %dma_start3A = tpu.memref_slice %arg9[%mul3A_2] : memref<16384xf32, #tpu.memory_space<hbm>> -> memref<512xf32, #tpu.memory_space<hbm>>
      %dma_start3A_8 = tpu.memref_slice %arg9[%mul3A_2] : memref<16384xf32, #tpu.memory_space<hbm>> -> memref<512xf32, #tpu.memory_space<hbm>>
      tpu.enqueue_dma source(%arg17 : memref<512xf32, #tpu.memory_space<vmem>>) target(%dma_start3A_8 : memref<512xf32, #tpu.memory_space<hbm>>) target_semaphore(%run_scoped3A : memref<!tpu.dma_semaphore, #tpu.memory_space<semaphore_mem>>)
      %dma_wait3A = tpu.memref_slice %arg9[%mul3A_2] : memref<16384xf32, #tpu.memory_space<hbm>> -> memref<512xf32, #tpu.memory_space<hbm>>
      %dma_wait3A_9 = tpu.memref_slice %arg9[%mul3A_2] : memref<16384xf32, #tpu.memory_space<hbm>> -> memref<512xf32, #tpu.memory_space<hbm>>
      tpu.wait_dma2 semaphore(%run_scoped3A : memref<!tpu.dma_semaphore, #tpu.memory_space<semaphore_mem>>) src(%arg17 : memref<512xf32, #tpu.memory_space<vmem>>) dst(%dma_wait3A_9 : memref<512xf32, #tpu.memory_space<hbm>>)
      tpu.yield
    }) : () -> ()
    return
  }
}

module attributes {stable_mosaic.version = 14 : i64} {
  func.func @_prep_body(%arg0: i32, %arg1: memref<512x20xi32, #tpu.memory_space<vmem>>, %arg2: memref<512x20xi32, #tpu.memory_space<vmem>>, %arg3: memref<512x20xi32, #tpu.memory_space<vmem>>, %arg4: memref<512x20xi32, #tpu.memory_space<vmem>>, %arg5: memref<512x20xi32, #tpu.memory_space<vmem>>, %arg6: memref<16384x128xf32, #tpu.memory_space<vmem>>, %arg7: memref<5x128xf32, #tpu.memory_space<vmem>>, %arg8: memref<3000x128xf32, #tpu.memory_space<vmem>>, %arg9: memref<1000x128xf32, #tpu.memory_space<vmem>>, %arg10: memref<128x768xf32, #tpu.memory_space<vmem>>, %arg11: memref<1x128xf32, #tpu.memory_space<vmem>>, %arg12: memref<1x128xf32, #tpu.memory_space<vmem>>, %arg13: memref<1x1xf32, #tpu.memory_space<vmem>>, %arg14: memref<1x128x512xi32, #tpu.memory_space<vmem>>, %arg15: memref<1x16384xf32, #tpu.memory_space<vmem>>, %arg16: memref<1x128xf32, #tpu.memory_space<vmem>>, %arg17: memref<1x3072xf32, #tpu.memory_space<vmem>>, %arg18: memref<1x1024xf32, #tpu.memory_space<vmem>>, %arg19: memref<1x1024xf32, #tpu.memory_space<vmem>>, %arg20: memref<1x1024xf32, #tpu.memory_space<vmem>>) attributes {dimension_semantics = [#tpu.dimension_semantics<arbitrary>], iteration_bounds = array<i64: 32>, scalar_prefetch = 0 : i64, scratch_operands = 0 : i64, tpu.core_type = #tpu.core_type<tc>, window_params = [{transform_indices = @transform_0, window_bounds = array<i64: 512, 20>}, {transform_indices = @transform_1, window_bounds = array<i64: 512, 20>}, {transform_indices = @transform_2, window_bounds = array<i64: 512, 20>}, {transform_indices = @transform_3, window_bounds = array<i64: 512, 20>}, {transform_indices = @transform_4, window_bounds = array<i64: 512, 20>}, {pipeline_mode = #tpu.pipeline_mode<synchronous>, transform_indices = @transform_5, window_bounds = array<i64: 16384, 128>}, {pipeline_mode = #tpu.pipeline_mode<synchronous>, transform_indices = @transform_6, window_bounds = array<i64: 5, 128>}, {pipeline_mode = #tpu.pipeline_mode<synchronous>, transform_indices = @transform_7, window_bounds = array<i64: 3000, 128>}, {pipeline_mode = #tpu.pipeline_mode<synchronous>, transform_indices = @transform_8, window_bounds = array<i64: 1000, 128>}, {pipeline_mode = #tpu.pipeline_mode<synchronous>, transform_indices = @transform_9, window_bounds = array<i64: 128, 768>}, {pipeline_mode = #tpu.pipeline_mode<synchronous>, transform_indices = @transform_10, window_bounds = array<i64: 1, 128>}, {pipeline_mode = #tpu.pipeline_mode<synchronous>, transform_indices = @transform_11, window_bounds = array<i64: 1, 128>}, {pipeline_mode = #tpu.pipeline_mode<synchronous>, transform_indices = @transform_12, window_bounds = array<i64: 1, 1>}, {transform_indices = @transform_13, window_bounds = array<i64: 1, 128, 512>}, {pipeline_mode = #tpu.pipeline_mode<synchronous>, transform_indices = @transform_14, window_bounds = array<i64: 1, 16384>}, {pipeline_mode = #tpu.pipeline_mode<synchronous>, transform_indices = @transform_15, window_bounds = array<i64: 1, 128>}, {pipeline_mode = #tpu.pipeline_mode<synchronous>, transform_indices = @transform_16, window_bounds = array<i64: 1, 3072>}, {pipeline_mode = #tpu.pipeline_mode<synchronous>, transform_indices = @transform_17, window_bounds = array<i64: 1, 1024>}, {pipeline_mode = #tpu.pipeline_mode<synchronous>, transform_indices = @transform_18, window_bounds = array<i64: 1, 1024>}, {pipeline_mode = #tpu.pipeline_mode<synchronous>, transform_indices = @transform_19, window_bounds = array<i64: 1, 1024>}]} {
    %get3A = arith.constant 0 : index
    %get3A_0 = arith.constant 0 : index
    %get3A_1 = vector.load %arg1[%get3A, %get3A_0] : memref<512x20xi32, #tpu.memory_space<vmem>>, vector<512x20xi32>
    %convert_element_type3A = arith.sitofp %get3A_1 : vector<512x20xi32> to vector<512x20xf32>
    %transpose3A = tpu.transpose %convert_element_type3A, [1, 0] : vector<512x20xf32> -> vector<20x512xf32>
    %broadcast_in_dim3A = arith.constant 0.000000e+00 : f32
    %broadcast_in_dim3A_2 = vector.broadcast %broadcast_in_dim3A : f32 to vector<4x512xf32>
    %get3A_3 = arith.constant 0 : index
    %get3A_4 = arith.constant 0 : index
    %get3A_5 = vector.load %arg2[%get3A_3, %get3A_4] : memref<512x20xi32, #tpu.memory_space<vmem>>, vector<512x20xi32>
    %convert_element_type3A_6 = arith.sitofp %get3A_5 : vector<512x20xi32> to vector<512x20xf32>
    %transpose3A_7 = tpu.transpose %convert_element_type3A_6, [1, 0] : vector<512x20xf32> -> vector<20x512xf32>
    %broadcast_in_dim3A_8 = arith.constant 0.000000e+00 : f32
    %broadcast_in_dim3A_9 = vector.broadcast %broadcast_in_dim3A_8 : f32 to vector<4x512xf32>
    %get3A_10 = arith.constant 0 : index
    %get3A_11 = arith.constant 0 : index
    %get3A_12 = vector.load %arg3[%get3A_10, %get3A_11] : memref<512x20xi32, #tpu.memory_space<vmem>>, vector<512x20xi32>
    %convert_element_type3A_13 = arith.sitofp %get3A_12 : vector<512x20xi32> to vector<512x20xf32>
    %transpose3A_14 = tpu.transpose %convert_element_type3A_13, [1, 0] : vector<512x20xf32> -> vector<20x512xf32>
    %broadcast_in_dim3A_15 = arith.constant 0.000000e+00 : f32
    %broadcast_in_dim3A_16 = vector.broadcast %broadcast_in_dim3A_15 : f32 to vector<4x512xf32>
    %get3A_17 = arith.constant 0 : index
    %get3A_18 = arith.constant 0 : index
    %get3A_19 = vector.load %arg4[%get3A_17, %get3A_18] : memref<512x20xi32, #tpu.memory_space<vmem>>, vector<512x20xi32>
    %convert_element_type3A_20 = arith.sitofp %get3A_19 : vector<512x20xi32> to vector<512x20xf32>
    %transpose3A_21 = tpu.transpose %convert_element_type3A_20, [1, 0] : vector<512x20xf32> -> vector<20x512xf32>
    %broadcast_in_dim3A_22 = arith.constant 0.000000e+00 : f32
    %broadcast_in_dim3A_23 = vector.broadcast %broadcast_in_dim3A_22 : f32 to vector<4x512xf32>
    %get3A_24 = arith.constant 0 : index
    %get3A_25 = arith.constant 0 : index
    %get3A_26 = vector.load %arg5[%get3A_24, %get3A_25] : memref<512x20xi32, #tpu.memory_space<vmem>>, vector<512x20xi32>
    %convert_element_type3A_27 = arith.sitofp %get3A_26 : vector<512x20xi32> to vector<512x20xf32>
    %transpose3A_28 = tpu.transpose %convert_element_type3A_27, [1, 0] : vector<512x20xf32> -> vector<20x512xf32>
    %broadcast_in_dim3A_29 = arith.constant 0.000000e+00 : f32
    %broadcast_in_dim3A_30 = vector.broadcast %broadcast_in_dim3A_29 : f32 to vector<4x512xf32>
    %broadcast_in_dim3A_31 = arith.constant 0.000000e+00 : f32
    %broadcast_in_dim3A_32 = vector.broadcast %broadcast_in_dim3A_31 : f32 to vector<8x512xf32>
    %concatenate3A = tpu.concatenate %transpose3A, %broadcast_in_dim3A_2, %transpose3A_7, %broadcast_in_dim3A_9, %transpose3A_14, %broadcast_in_dim3A_16, %transpose3A_21, %broadcast_in_dim3A_23, %transpose3A_28, %broadcast_in_dim3A_30, %broadcast_in_dim3A_32 in 0 : vector<20x512xf32>, vector<4x512xf32>, vector<20x512xf32>, vector<4x512xf32>, vector<20x512xf32>, vector<4x512xf32>, vector<20x512xf32>, vector<4x512xf32>, vector<20x512xf32>, vector<4x512xf32>, vector<8x512xf32> -> vector<128x512xf32>
    %convert_element_type3A_33 = arith.fptosi %concatenate3A : vector<128x512xf32> to vector<128x512xi32>
    %swap3A = arith.constant 0 : index
    %swap3A_34 = arith.constant 0 : index
    %swap3A_35 = arith.constant 0 : index
    %swap3A_36 = vector.load %arg14[%swap3A, %swap3A_34, %swap3A_35] : memref<1x128x512xi32, #tpu.memory_space<vmem>>, vector<1x128x512xi32>
    %swap3A_37 = vector.shape_cast %swap3A_36 : vector<1x128x512xi32> to vector<128x512xi32>
    %swap3A_38 = vector.shape_cast %convert_element_type3A_33 : vector<128x512xi32> to vector<1x128x512xi32>
    tpu.vector_store %arg14[%swap3A, %swap3A_34, %swap3A_35], %swap3A_38 {strides = array<i32>} : memref<1x128x512xi32, #tpu.memory_space<vmem>>, vector<1x128x512xi32>,
    %eq3A = arith.constant 0 : i32
    %eq3A_39 = arith.cmpi eq, %arg0, %eq3A : i32
    %convert_element_type3A_40 = arith.extui %eq3A_39 : i1 to i32
    %cond3A = arith.constant 0 : i32
    %cond3A_41 = arith.cmpi ne, %convert_element_type3A_40, %cond3A : i32
    scf.if %cond3A_41 {
      %get3A_42 = arith.constant 0 : index
      %get3A_43 = arith.constant 0 : index
      %get3A_44 = vector.load %arg12[%get3A_42, %get3A_43] : memref<1x128xf32, #tpu.memory_space<vmem>>, vector<1x128xf32>
      %get3A_45 = arith.constant 0 : index
      %get3A_46 = arith.constant 0 : index
      %get3A_47 = vector.load %arg10[%get3A_45, %get3A_46] : memref<128x768xf32, #tpu.memory_space<vmem>>, vector<128x768xf32>
      %dot_general3A = arith.constant dense<0.000000e+00> : vector<1x768xf32>
      %dot_general3A_48 = tpu.matmul %get3A_44, %get3A_47, %dot_general3A {dimension_numbers = #tpu.dot_dimension_numbers<[1], [0], [0], [1], [0, 0, 1, 1], [], []>, precision = #tpu.contract_precision<fp32>, transpose_lhs_hint = false} : vector<1x128xf32>, vector<128x768xf32>, vector<1x768xf32> -> vector<1x768xf32>
      %get3A_49 = arith.constant 0 : index
      %get3A_50 = arith.constant 0 : index
      %get3A_51 = vector.load %arg11[%get3A_49, %get3A_50] : memref<1x128xf32, #tpu.memory_space<vmem>>, vector<1x128xf32>
      %mul3A = arith.mulf %get3A_51, %get3A_44 : vector<1x128xf32>
      %reduce_sum3A = vector.shape_cast %mul3A : vector<1x128xf32> to vector<1x1x128xf32>
      %reduce_sum3A_52 = arith.constant dense<0.000000e+00> : vector<1xf32>
      %reduce_sum3A_53 = vector.multi_reduction <add>, %reduce_sum3A, %reduce_sum3A_52 [1, 2] : vector<1x1x128xf32> to vector<1xf32>
      %reduce_sum3A_54 = vector.shape_cast %reduce_sum3A_53 : vector<1xf32> to vector<1x1x1xf32>
      %reduce_sum3A_55 = vector.extract %reduce_sum3A_54[0, 0, 0] : f32 from vector<1x1x1xf32>
      %get3A_56 = arith.constant 0 : index
      %get3A_57 = arith.constant 0 : index
      %get3A_58 = vector.load %arg13[%get3A_56, %get3A_57] : memref<1x1xf32, #tpu.memory_space<vmem>>, vector<1x1xf32>
      %get3A_59 = vector.extract %get3A_58[0, 0] : f32 from vector<1x1xf32>
      %add3A = arith.addf %reduce_sum3A_55, %get3A_59 : f32
      %slice3A = vector.extract_strided_slice %dot_general3A_48 {offsets = [0, 0], sizes = [1, 128], strides = [1, 1]} : vector<1x768xf32> to vector<1x128xf32>
      %get3A_60 = arith.constant 0 : index
      %get3A_61 = arith.constant 0 : index
      %get3A_62 = vector.load %arg6[%get3A_60, %get3A_61] : memref<16384x128xf32, #tpu.memory_space<vmem>>, vector<16384x128xf32>
      %dot_general3A_63 = arith.constant dense<0.000000e+00> : vector<1x16384xf32>
      %dot_general3A_64 = tpu.matmul %slice3A, %get3A_62, %dot_general3A_63 {dimension_numbers = #tpu.dot_dimension_numbers<[1], [1], [0], [0], [0, 0, 1, 0], [], []>, precision = #tpu.contract_precision<fp32>, transpose_lhs_hint = false} : vector<1x128xf32>, vector<16384x128xf32>, vector<1x16384xf32> -> vector<1x16384xf32>
      %add3A_65 = vector.broadcast %add3A : f32 to vector<1x16384xf32>
      %add3A_66 = arith.addf %dot_general3A_64, %add3A_65 : vector<1x16384xf32>
      %swap3A_67 = arith.constant 0 : index
      %swap3A_68 = arith.constant 0 : index
      %swap3A_69 = vector.load %arg15[%swap3A_67, %swap3A_68] : memref<1x16384xf32, #tpu.memory_space<vmem>>, vector<1x16384xf32>
      tpu.vector_store %arg15[%swap3A_67, %swap3A_68], %add3A_66 {strides = array<i32>} : memref<1x16384xf32, #tpu.memory_space<vmem>>, vector<1x16384xf32>,
      %slice3A_70 = vector.extract_strided_slice %dot_general3A_48 {offsets = [0, 128], sizes = [1, 128], strides = [1, 1]} : vector<1x768xf32> to vector<1x128xf32>
      %get3A_71 = arith.constant 0 : index
      %get3A_72 = arith.constant 0 : index
      %get3A_73 = vector.load %arg7[%get3A_71, %get3A_72] : memref<5x128xf32, #tpu.memory_space<vmem>>, vector<5x128xf32>
      %dot_general3A_74 = arith.constant dense<0.000000e+00> : vector<1x5xf32>
      %dot_general3A_75 = tpu.matmul %slice3A_70, %get3A_73, %dot_general3A_74 {dimension_numbers = #tpu.dot_dimension_numbers<[1], [1], [0], [0], [0, 0, 1, 0], [], []>, precision = #tpu.contract_precision<fp32>, transpose_lhs_hint = false} : vector<1x128xf32>, vector<5x128xf32>, vector<1x5xf32> -> vector<1x5xf32>
      %broadcast_in_dim3A_76 = arith.constant 0.000000e+00 : f32
      %broadcast_in_dim3A_77 = vector.broadcast %broadcast_in_dim3A_76 : f32 to vector<1x123xf32>
      %concatenate3A_78 = tpu.concatenate %dot_general3A_75, %broadcast_in_dim3A_77 in 1 : vector<1x5xf32>, vector<1x123xf32> -> vector<1x128xf32>
      %swap3A_79 = arith.constant 0 : index
      %swap3A_80 = arith.constant 0 : index
      %swap3A_81 = vector.load %arg16[%swap3A_79, %swap3A_80] : memref<1x128xf32, #tpu.memory_space<vmem>>, vector<1x128xf32>
      tpu.vector_store %arg16[%swap3A_79, %swap3A_80], %concatenate3A_78 {strides = array<i32>} : memref<1x128xf32, #tpu.memory_space<vmem>>, vector<1x128xf32>,
      %slice3A_82 = vector.extract_strided_slice %dot_general3A_48 {offsets = [0, 256], sizes = [1, 128], strides = [1, 1]} : vector<1x768xf32> to vector<1x128xf32>
      %get3A_83 = arith.constant 0 : index
      %get3A_84 = arith.constant 0 : index
      %get3A_85 = vector.load %arg8[%get3A_83, %get3A_84] : memref<3000x128xf32, #tpu.memory_space<vmem>>, vector<3000x128xf32>
      %dot_general3A_86 = arith.constant dense<0.000000e+00> : vector<1x3000xf32>
      %dot_general3A_87 = tpu.matmul %slice3A_82, %get3A_85, %dot_general3A_86 {dimension_numbers = #tpu.dot_dimension_numbers<[1], [1], [0], [0], [0, 0, 1, 0], [], []>, precision = #tpu.contract_precision<fp32>, transpose_lhs_hint = false} : vector<1x128xf32>, vector<3000x128xf32>, vector<1x3000xf32> -> vector<1x3000xf32>
      %broadcast_in_dim3A_88 = arith.constant 0.000000e+00 : f32
      %broadcast_in_dim3A_89 = vector.broadcast %broadcast_in_dim3A_88 : f32 to vector<1x72xf32>
      %concatenate3A_90 = tpu.concatenate %dot_general3A_87, %broadcast_in_dim3A_89 in 1 : vector<1x3000xf32>, vector<1x72xf32> -> vector<1x3072xf32>
      %swap3A_91 = arith.constant 0 : index
      %swap3A_92 = arith.constant 0 : index
      %swap3A_93 = vector.load %arg17[%swap3A_91, %swap3A_92] : memref<1x3072xf32, #tpu.memory_space<vmem>>, vector<1x3072xf32>
      tpu.vector_store %arg17[%swap3A_91, %swap3A_92], %concatenate3A_90 {strides = array<i32>} : memref<1x3072xf32, #tpu.memory_space<vmem>>, vector<1x3072xf32>,
      %slice3A_94 = vector.extract_strided_slice %dot_general3A_48 {offsets = [0, 384], sizes = [1, 128], strides = [1, 1]} : vector<1x768xf32> to vector<1x128xf32>
      %get3A_95 = arith.constant 0 : index
      %get3A_96 = arith.constant 0 : index
      %get3A_97 = vector.load %arg9[%get3A_95, %get3A_96] : memref<1000x128xf32, #tpu.memory_space<vmem>>, vector<1000x128xf32>
      %dot_general3A_98 = arith.constant dense<0.000000e+00> : vector<1x1000xf32>
      %dot_general3A_99 = tpu.matmul %slice3A_94, %get3A_97, %dot_general3A_98 {dimension_numbers = #tpu.dot_dimension_numbers<[1], [1], [0], [0], [0, 0, 1, 0], [], []>, precision = #tpu.contract_precision<fp32>, transpose_lhs_hint = false} : vector<1x128xf32>, vector<1000x128xf32>, vector<1x1000xf32> -> vector<1x1000xf32>
      %broadcast_in_dim3A_100 = arith.constant 0.000000e+00 : f32
      %broadcast_in_dim3A_101 = vector.broadcast %broadcast_in_dim3A_100 : f32 to vector<1x24xf32>
      %concatenate3A_102 = tpu.concatenate %dot_general3A_99, %broadcast_in_dim3A_101 in 1 : vector<1x1000xf32>, vector<1x24xf32> -> vector<1x1024xf32>
      %swap3A_103 = arith.constant 0 : index
      %swap3A_104 = arith.constant 0 : index
      %swap3A_105 = vector.load %arg18[%swap3A_103, %swap3A_104] : memref<1x1024xf32, #tpu.memory_space<vmem>>, vector<1x1024xf32>
      tpu.vector_store %arg18[%swap3A_103, %swap3A_104], %concatenate3A_102 {strides = array<i32>} : memref<1x1024xf32, #tpu.memory_space<vmem>>, vector<1x1024xf32>,
      %slice3A_106 = vector.extract_strided_slice %dot_general3A_48 {offsets = [0, 512], sizes = [1, 128], strides = [1, 1]} : vector<1x768xf32> to vector<1x128xf32>
      %get3A_107 = arith.constant 0 : index
      %get3A_108 = arith.constant 0 : index
      %get3A_109 = vector.load %arg9[%get3A_107, %get3A_108] : memref<1000x128xf32, #tpu.memory_space<vmem>>, vector<1000x128xf32>
      %dot_general3A_110 = arith.constant dense<0.000000e+00> : vector<1x1000xf32>
      %dot_general3A_111 = tpu.matmul %slice3A_106, %get3A_109, %dot_general3A_110 {dimension_numbers = #tpu.dot_dimension_numbers<[1], [1], [0], [0], [0, 0, 1, 0], [], []>, precision = #tpu.contract_precision<fp32>, transpose_lhs_hint = false} : vector<1x128xf32>, vector<1000x128xf32>, vector<1x1000xf32> -> vector<1x1000xf32>
      %broadcast_in_dim3A_112 = arith.constant 0.000000e+00 : f32
      %broadcast_in_dim3A_113 = vector.broadcast %broadcast_in_dim3A_112 : f32 to vector<1x24xf32>
      %concatenate3A_114 = tpu.concatenate %dot_general3A_111, %broadcast_in_dim3A_113 in 1 : vector<1x1000xf32>, vector<1x24xf32> -> vector<1x1024xf32>
      %swap3A_115 = arith.constant 0 : index
      %swap3A_116 = arith.constant 0 : index
      %swap3A_117 = vector.load %arg19[%swap3A_115, %swap3A_116] : memref<1x1024xf32, #tpu.memory_space<vmem>>, vector<1x1024xf32>
      tpu.vector_store %arg19[%swap3A_115, %swap3A_116], %concatenate3A_114 {strides = array<i32>} : memref<1x1024xf32, #tpu.memory_space<vmem>>, vector<1x1024xf32>,
      %slice3A_118 = vector.extract_strided_slice %dot_general3A_48 {offsets = [0, 640], sizes = [1, 128], strides = [1, 1]} : vector<1x768xf32> to vector<1x128xf32>
      %get3A_119 = arith.constant 0 : index
      %get3A_120 = arith.constant 0 : index
      %get3A_121 = vector.load %arg9[%get3A_119, %get3A_120] : memref<1000x128xf32, #tpu.memory_space<vmem>>, vector<1000x128xf32>
      %dot_general3A_122 = arith.constant dense<0.000000e+00> : vector<1x1000xf32>
      %dot_general3A_123 = tpu.matmul %slice3A_118, %get3A_121, %dot_general3A_122 {dimension_numbers = #tpu.dot_dimension_numbers<[1], [1], [0], [0], [0, 0, 1, 0], [], []>, precision = #tpu.contract_precision<fp32>, transpose_lhs_hint = false} : vector<1x128xf32>, vector<1000x128xf32>, vector<1x1000xf32> -> vector<1x1000xf32>
      %broadcast_in_dim3A_124 = arith.constant 0.000000e+00 : f32
      %broadcast_in_dim3A_125 = vector.broadcast %broadcast_in_dim3A_124 : f32 to vector<1x24xf32>
      %concatenate3A_126 = tpu.concatenate %dot_general3A_123, %broadcast_in_dim3A_125 in 1 : vector<1x1000xf32>, vector<1x24xf32> -> vector<1x1024xf32>
      %swap3A_127 = arith.constant 0 : index
      %swap3A_128 = arith.constant 0 : index
      %swap3A_129 = vector.load %arg20[%swap3A_127, %swap3A_128] : memref<1x1024xf32, #tpu.memory_space<vmem>>, vector<1x1024xf32>
      tpu.vector_store %arg20[%swap3A_127, %swap3A_128], %concatenate3A_126 {strides = array<i32>} : memref<1x1024xf32, #tpu.memory_space<vmem>>, vector<1x1024xf32>,
    } else {
    }
    return
  }
  func.func @transform_0(%arg0: i32) -> (i32, i32) {
    %c0_i32 = arith.constant 0 : i32
    %c0_i32_0 = arith.constant 0 : i32
    return %arg0, %c0_i32 : i32, i32
  }
  func.func @transform_1(%arg0: i32) -> (i32, i32) {
    %c0_i32 = arith.constant 0 : i32
    %c0_i32_0 = arith.constant 0 : i32
    return %arg0, %c0_i32 : i32, i32
  }
  func.func @transform_2(%arg0: i32) -> (i32, i32) {
    %c0_i32 = arith.constant 0 : i32
    %c0_i32_0 = arith.constant 0 : i32
    return %arg0, %c0_i32 : i32, i32
  }
  func.func @transform_3(%arg0: i32) -> (i32, i32) {
    %c0_i32 = arith.constant 0 : i32
    %c0_i32_0 = arith.constant 0 : i32
    return %arg0, %c0_i32 : i32, i32
  }
  func.func @transform_4(%arg0: i32) -> (i32, i32) {
    %c0_i32 = arith.constant 0 : i32
    %c0_i32_0 = arith.constant 0 : i32
    return %arg0, %c0_i32 : i32, i32
  }
  func.func @transform_5(%arg0: i32) -> (i32, i32) {
    %c0_i32 = arith.constant 0 : i32
    %c0_i32_0 = arith.constant 0 : i32
    %c0_i32_1 = arith.constant 0 : i32
    return %c0_i32, %c0_i32_0 : i32, i32
  }
  func.func @transform_6(%arg0: i32) -> (i32, i32) {
    %c0_i32 = arith.constant 0 : i32
    %c0_i32_0 = arith.constant 0 : i32
    %c0_i32_1 = arith.constant 0 : i32
    return %c0_i32, %c0_i32_0 : i32, i32
  }
  func.func @transform_7(%arg0: i32) -> (i32, i32) {
    %c0_i32 = arith.constant 0 : i32
    %c0_i32_0 = arith.constant 0 : i32
    %c0_i32_1 = arith.constant 0 : i32
    return %c0_i32, %c0_i32_0 : i32, i32
  }
  func.func @transform_8(%arg0: i32) -> (i32, i32) {
    %c0_i32 = arith.constant 0 : i32
    %c0_i32_0 = arith.constant 0 : i32
    %c0_i32_1 = arith.constant 0 : i32
    return %c0_i32, %c0_i32_0 : i32, i32
  }
  func.func @transform_9(%arg0: i32) -> (i32, i32) {
    %c0_i32 = arith.constant 0 : i32
    %c0_i32_0 = arith.constant 0 : i32
    %c0_i32_1 = arith.constant 0 : i32
    return %c0_i32, %c0_i32_0 : i32, i32
  }
  func.func @transform_10(%arg0: i32) -> (i32, i32) {
    %c0_i32 = arith.constant 0 : i32
    %c0_i32_0 = arith.constant 0 : i32
    %c0_i32_1 = arith.constant 0 : i32
    return %c0_i32, %c0_i32_0 : i32, i32
  }
  func.func @transform_11(%arg0: i32) -> (i32, i32) {
    %c0_i32 = arith.constant 0 : i32
    %c0_i32_0 = arith.constant 0 : i32
    %c0_i32_1 = arith.constant 0 : i32
    return %c0_i32, %c0_i32_0 : i32, i32
  }
  func.func @transform_12(%arg0: i32) -> (i32, i32) {
    %c0_i32 = arith.constant 0 : i32
    %c0_i32_0 = arith.constant 0 : i32
    %c0_i32_1 = arith.constant 0 : i32
    return %c0_i32, %c0_i32_0 : i32, i32
  }
  func.func @transform_13(%arg0: i32) -> (i32, i32, i32) {
    %c0_i32 = arith.constant 0 : i32
    %c0_i32_0 = arith.constant 0 : i32
    %c0_i32_1 = arith.constant 0 : i32
    return %arg0, %c0_i32, %c0_i32_0 : i32, i32, i32
  }
  func.func @transform_14(%arg0: i32) -> (i32, i32) {
    %c0_i32 = arith.constant 0 : i32
    %c0_i32_0 = arith.constant 0 : i32
    %c0_i32_1 = arith.constant 0 : i32
    return %c0_i32, %c0_i32_0 : i32, i32
  }
  func.func @transform_15(%arg0: i32) -> (i32, i32) {
    %c0_i32 = arith.constant 0 : i32
    %c0_i32_0 = arith.constant 0 : i32
    %c0_i32_1 = arith.constant 0 : i32
    return %c0_i32, %c0_i32_0 : i32, i32
  }
  func.func @transform_16(%arg0: i32) -> (i32, i32) {
    %c0_i32 = arith.constant 0 : i32
    %c0_i32_0 = arith.constant 0 : i32
    %c0_i32_1 = arith.constant 0 : i32
    return %c0_i32, %c0_i32_0 : i32, i32
  }
  func.func @transform_17(%arg0: i32) -> (i32, i32) {
    %c0_i32 = arith.constant 0 : i32
    %c0_i32_0 = arith.constant 0 : i32
    %c0_i32_1 = arith.constant 0 : i32
    return %c0_i32, %c0_i32_0 : i32, i32
  }
  func.func @transform_18(%arg0: i32) -> (i32, i32) {
    %c0_i32 = arith.constant 0 : i32
    %c0_i32_0 = arith.constant 0 : i32
    %c0_i32_1 = arith.constant 0 : i32
    return %c0_i32, %c0_i32_0 : i32, i32
  }
  func.func @transform_19(%arg0: i32) -> (i32, i32) {
    %c0_i32 = arith.constant 0 : i32
    %c0_i32_0 = arith.constant 0 : i32
    %c0_i32_1 = arith.constant 0 : i32
    return %c0_i32, %c0_i32_0 : i32, i32
  }
}

</mosaic_0001>

<sc_bundles>
// kernel: kernel.4.cloned.1.call-start
scs
__scs_entry_jumppad:
0x0: {  	(pc) =	sbr.rel $0x88, $3  }
0x1: {  	(tag) =	ssettag $0x0;
	lr =	simm.s32 $0x1  }
0x2: {  	[smem:$0x3F94] =	sst lr;
	_ =	strace $0xD0000000  }
0x3: {  	_ = 	snop  }
0x4: {  	_ = 	snop  }
0x5: {  	_ = 	snop  }
0x6: {  	_ = 	snop  }
0x7: {  	_ = 	snop  }
__scs_overlays_trampoline_lowered:
0x8: {  	[smem:$0x3FA3] =	sst s0  }
0x9: {  	[smem:$0x3FA4] =	sst s1  }
0xa: {  	[smem:$0x3FA5] =	sst s2  }
0xb: {  	[smem:$0x3FA6] =	sst s3  }
0xc: {  	[smem:$0x3FA7] =	sst s4  }
0xd: {  	[smem:$0x3FA8] =	sst s5  }
0xe: {  	[smem:$0x3FA9] =	sst s6  }
0xf: {  	[smem:$0x3FAA] =	sst s7  }
0x10: {  	[smem:$0x3FAB] =	sst s8  }
0x11: {  	[smem:$0x3FAC] =	sst s9;
	s0 =	simm.s32 @!p0 $0x0  }
0x12: {  	s1 =	sld [smem:$0x3F92];
	s0 =	simm.s32 @p0 $0x1  }
0x13: {  	[smem:$0x3FAD] =	sst s0;
	s0 =	simm.s32 @!p1 $0x0  }
0x14: {  	s2 =	sld [smem:$0x3F91];
	s0 =	simm.s32 @p1 $0x1  }
0x15: {  	[smem:$0x3FAE] =	sst s0;
	s0 =	simm.s32 @!p2 $0x0  }
0x16: {  	s3 =	sld [smem:$0x3FDB];
	s0 =	simm.s32 @p2 $0x1  }
0x17: {  	s4 =	simm.s32 $0x1BF5;
	[smem:$0x3FB0] =	sst s0  }
0x18: {  	s0 =	sld [smem:$0x3F93];
	_ =	swait.ge [sflag:s4], $0x0  }
0x19: {  	s7 =	sld [smem:$0x3F94]  }
0x1a: {  	s8 =	sadd.s32 $0xFFFFE003, lr  }
0x1b: {  	s9 =	sadd.s32 $0xFFFFFEF7, lr;
	s5 =	simm.s32 $0xFFFFFFFF;
	p2 =	slt.u32 s8, $0xFFFFF086  }
0x1c: {  	p1 =	slt.u32 s9, $0xF7A;
	s5 =	simm.s32 @!p2 $0x0  }
0x1d: {  	s5 =	simm.s32 @p1 $0x1;
	p0 =	seq.s32 s7, s2  }
0x1e: {  	s7 =	smul.u32 @!p0 $0xF7A, s2;
	p2 =	seq.s32 @!p0 s5, $0x0  }
0x1f: {  	s9 =	smul.u32 $0xF7A, s1;
	s8 =	simm.s32 @!p0 $0x1BF5;
	p2 =	por !p2, p0  }
0x20: {  	[sflag:s8] =	ssyncset.s32 @!p0 $0xFFFFF086;
	s6 =	sadd.s32 @!p0 s3, s7;
	s7 =	simm.s32 @!p0 $0x108  }
0x21: {  	s3 =	sadd.s32 s3, s9;
	s6 =	sadd.s32 @!p0 $0x88, s6;
	s7 =	simm.s32 @p2 $0x1082  }
0x22: {  	[simem:s7], [sflag:s8] =	dma.local @!p0 [hbm:s6], $0xF7A  }
0x23: {  	s9 =	sor.u32 $0xD0000000, s2;
	s6 =	simm.s32 $0x108;
	_ =	swait.ge @!p0 [sflag:s8], $0x0  }
0x24: {  	s3 =	sadd.s32 $0x88, s3;
	s6 =	simm.s32 @!p1 $0x1082;
	[sflag:s4] =	ssyncset.s32 $0xFFFFF086  }
0x25: {  	[simem:s6], [sflag:s4] =	dma.local [hbm:s3], $0xF7A  }
0x26: {  	[smem:$0x3F94] =	sst s1;
	(tag) =	ssettag s2;
	_ =	strace s9  }
0x27: {  	s1 =	sld [smem:$0x3FA4]  }
0x28: {  	s2 =	sld [smem:$0x3FA5]  }
0x29: {  	s4 =	sld [smem:$0x3FA7]  }
0x2a: {  	p0 =	seq.s32 s5, $0x0;
	s5 =	sld [smem:$0x3FA8]  }
0x2b: {  	s6 =	sld [smem:$0x3FA9]  }
0x2c: {  	s7 =	sld [smem:$0x3FAA]  }
0x2d: {  	s3 =	simm.s32 $0x108;
	s8 =	sld [smem:$0x3FAB]  }
0x2e: {  	s3 =	simm.s32 @!p0 $0x1082;
	s9 =	sld [smem:$0x3FAC]  }
0x2f: {  	lr =	sadd.s32 s0, s3;
	s0 =	sld [smem:$0x3FA3]  }
0x30: {  	s3 =	sld [smem:$0x3FA6]  }
0x31: {  	[smem:$0x3FAF] =	sst s10  }
0x32: {  	s10 =	sld [smem:$0x3FAD];
	_ =	sdelay $0x3  }
0x33: {  	p0 =	seq.s32 s10, $0x1;
	s10 =	sld [smem:$0x3FAF];
	_ =	sdelay $0x3  }
0x34: {  	[smem:$0x3FAF] =	sst s10  }
0x35: {  	s10 =	sld [smem:$0x3FAE];
	_ =	sdelay $0x3  }
0x36: {  	p1 =	seq.s32 s10, $0x1;
	s10 =	sld [smem:$0x3FAF];
	_ =	sdelay $0x3  }
0x37: {  	[smem:$0x3FAF] =	sst s10  }
0x38: {  	s10 =	sld [smem:$0x3FB0]  }
0x39: {  	_ = 	snop;
	(pc) =	sbr.ind lr, $3  }
0x3a: {  	_ = 	snop  }
0x3b: {  	_ = 	snop  }
0x3c: {  	p2 =	seq.s32 s10, $0x1;
	s10 =	sld [smem:$0x3FAF]  }
0x3d: {  	_ =	shalt  }
0x3e: {  	_ =	shalt  }
0x3f: {  	_ =	shalt  }
0x40: {  	_ =	shalt  }
0x41: {  	_ =	shalt  }
0x42: {  	_ =	shalt  }
0x43: {  	_ =	shalt  }
0x44: {  	_ =	shalt  }
0x45: {  	_ =	shalt  }
0x46: {  	_ =	shalt  }
0x47: {  	_ =	shalt  }
0x48: {  	_ =	shalt  }
0x49: {  	_ =	shalt  }
0x4a: {  	_ =	shalt  }
0x4b: {  	_ =	shalt  }
0x4c: {  	_ =	shalt  }
0x4d: {  	_ =	shalt  }
0x4e: {  	_ =	shalt  }
0x4f: {  	_ =	shalt  }
0x50: {  	_ =	shalt  }
0x51: {  	_ =	shalt  }
0x52: {  	_ =	shalt  }
0x53: {  	_ =	shalt  }
0x54: {  	_ =	shalt  }
0x55: {  	_ =	shalt  }
0x56: {  	_ =	shalt  }
0x57: {  	_ =	shalt  }
0x58: {  	_ =	shalt  }
0x59: {  	_ =	shalt  }
0x5a: {  	_ =	shalt  }
0x5b: {  	_ =	shalt  }
0x5c: {  	_ =	shalt  }
0x5d: {  	_ =	shalt  }
0x5e: {  	_ =	shalt  }
0x5f: {  	_ =	shalt  }
0x60: {  	_ =	shalt  }
0x61: {  	_ =	shalt  }
0x62: {  	_ =	shalt  }
0x63: {  	_ =	shalt  }
0x64: {  	_ =	shalt  }
0x65: {  	_ =	shalt  }
0x66: {  	_ =	shalt  }
0x67: {  	_ =	shalt  }
0x68: {  	_ =	shalt  }
0x69: {  	_ =	shalt  }
0x6a: {  	_ =	shalt  }
0x6b: {  	_ =	shalt  }
0x6c: {  	_ =	shalt  }
0x6d: {  	_ =	shalt  }
0x6e: {  	_ =	shalt  }
0x6f: {  	_ =	shalt  }
0x70: {  	_ =	shalt  }
0x71: {  	_ =	shalt  }
0x72: {  	_ =	shalt  }
0x73: {  	_ =	shalt  }
0x74: {  	_ =	shalt  }
0x75: {  	_ =	shalt  }
0x76: {  	_ =	shalt  }
0x77: {  	_ =	shalt  }
0x78: {  	_ =	shalt  }
0x79: {  	_ =	shalt  }
0x7a: {  	_ =	shalt  }
0x7b: {  	_ =	shalt  }
0x7c: {  	_ =	shalt  }
0x7d: {  	_ =	shalt  }
0x7e: {  	_ =	shalt  }
0x7f: {  	_ =	shalt  }
0x80: {  	_ =	shalt  }
0x81: {  	_ =	shalt  }
0x82: {  	_ =	shalt  }
0x83: {  	_ =	shalt  }
0x84: {  	_ =	shalt  }
0x85: {  	_ =	shalt  }
0x86: {  	_ =	shalt  }
0x87: {  	_ =	shalt  }
.Lfunc_end0:
.L_simem_size_0:
called_computation_lowered:
.L_overlay_start_0:
0x88: {  	s2 =	sld [smem:$0x3FD9]  }
0x89: {  	s3 =	sld [smem:$0x3FFE];
	_ =	sdelay $0x1  }
0x8a: {  	s1 =	srdreg.scid  }
0x8b: {  	s0 =	sand.u32 $0x1, s1  }
0x8c: {  	s17 =	sshll.u32 s0, $0xA;
	s2 =	sadd.s32 s3, s2  }
0x8d: {  	s2 =	sadd.s32 s2, s17  }
0x8e: {  	[smem:$0x3FBB] =	sst s2  }
0x8f: {  	_ = 	snop  }
0x90: {  	s2 =	sld [smem:$0x3FD0];
	(tm) =	ssettm $0x1  }
0x91: {  	s18 =	sld [smem:$0x3FFB];
	_ =	sdelay $0x3  }
0x92: {  	_ =	strace s18  }
0x93: {  	s3 =	sld [smem:$0x3FFC];
	_ =	sdelay $0x3  }
0x94: {  	_ =	strace s3  }
0x95: {  	s3 =	sld [smem:$0x3FFD];
	_ =	sdelay $0x3  }
0x96: {  	_ =	strace s3  }
0x97: {  	_ =	strace $0x8FFFFFFF  }
0x98: {  	s19 =	sld [smem:$0x3FDB];
	_ =	sdelay $0x1  }
0x99: {  	s4 =	simm.s32 $_scs_section_size  }
0x9a: {  	s5 =	simm.s32 $_size__tile_overlayer_lowered;
	s6 =	simm.s32 $_tile_overlayer_lowered  }
0x9b: {  	s22 =	simm.s32 $0x1BFF;
	s21 =	sshll.u32 s6, $0x1;
	s3 =	sadd.s32 s4, s19  }
0x9c: {  	s7 =	simm.s32 $0x0;
	s20 =	sshll.u32 s5, $0x1;
	s5 =	sadd.s32 s21, s3  }
0x9d: {  	[timem:s7], [sflag:s22] =	dma.local [hbm:s5], s20  }
0x9e: {  	_ =	swait.ge [sflag:s22], s20  }
0x9f: {  	s4 =	ssub.s32 $0x0, s20;
	[sflag:s22] =	ssyncset.done $0x0  }
0xa0: {  	[sflag:s22] =	ssyncadd.s32 s4;
	_ =	sdelay $0x1  }
0xa1: {  	s23 =	simm.s32 $0x1B8B  }
0xa2: {  	_ =	swait.ge [sflag:s23], $0x1  }
0xa3: {  	[sflag:s23] =	ssyncset.done $0x0  }
0xa4: {  	s25 =	simm.s32 $0x1B8E;
	s24 =	sld [smem:$0x3FFE];
	[sflag:s23] =	ssyncadd.s32 $0xFFFFFFFF  }
0xa5: {  	s26 =	simm.s32 $execute0_lowered;
	[smem:$0x3FD2] =	sst s25  }
0xa6: {  	s5 =	sshll.u32 s26, $0x1;
	_ =	strace $0x80000046;
	[dreg:$0x1] =	wrdreg $0xFFFFFFFF  }
0xa7: {  	s28 =	simm.s32 $_size_execute0_lowered;
	s3 =	sadd.s32 s3, s5;
	[dreg:$0x0] =	wrdreg $0x0  }
0xa8: {  	s5 =	sshll.u32 s28, $0x1;
	[dreg:$0x2] =	wrdreg s3  }
0xa9: {  	[dreg:$0x3] =	wrdreg s5  }
0xaa: {  	[dreg:$0x4] =	wrdreg $0xC0  }
0xab: {  	_ =	task [dreg:s7], $0x5FFFF  }
0xac: {  	[dreg:$0x1] =	wrdreg $0xFFFFFFFF  }
0xad: {  	[dreg:$0x0] =	wrdreg $0x60  }
0xae: {  	[dreg:$0x2] =	wrdreg s24  }
0xaf: {  	[dreg:$0x3] =	wrdreg s2  }
0xb0: {  	[dreg:$0x4] =	wrdreg $0x9  }
0xb1: {  	_ =	task.clear_ibuf [dreg:s7], $0x5FFFF;
	_ =	strace $0x90000046  }
0xb2: {  	s29 =	simm.s32 $0x9;
	_ =	strace $0x80000048  }
0xb3: {  	_ =	swait.ge [sflag:s29], $0x1  }
0xb4: {  	[sflag:s29] =	ssyncadd.s32 $0xFFFFFFFF  }
0xb5: {  	_ =	strace $0x90000048  }
0xb6: {  	_ =	sfence  }
0xb7: {  	s30 =	sld [smem:$0x0];
	_ =	sdelay $0x2  }
0xb8: {  	s31 =	sshll.u32 s1, $0xD;
	s1 =	sshrl.u32 s1, $0x2  }
0xb9: {  	s3 =	sand.u32 $0x4000, s31;
	s1 =	sadd.s32 s1, s30  }
0xba: {  	s0 =	sor.u32 s3, s0;
	s1 =	sshll.u32 s1, $0x11  }
0xbb: {  	s0 =	sor.u32 s1, s0  }
0xbc: {  	s0 =	sadd.s32 $0x8F2B, s0  }
0xbd: {  	[sflag:s0] =	ssyncadd.remote.s32 $0x1  }
0xbe: {  	_ =	sfence.sel $0xFFFF  }
0xbf: {  	[dreg:$0x0] =	wrdreg $0xFFFFFFFF;
	(pc) =	sbr.abs _section_cstart, $3  }
0xc0: {  	[dreg:$0x1] =	wrdreg $0xFFFFFFFF  }
0xc1: {  	_ =	task.clear_ibuf [dreg:s7], $0x2FFFF;
	_ =	strace $0x9FFFFFFF  }
0xc2: {  	(tm) =	ssettm $0x7FFFFFFF  }
0xc3: {  	_ =	shalt  }
tec
execute0_lowered:
.L_overlay_start_1:
0x0: {  	(tag) =	ssettag $0x1  }
0x1: {  	s7 =	rddreg [dreg:$0x0];
	s1 =	srdreg.scid  }
0x2: {  	s0 =	stileid.u32;
	s10 =	rddreg [dreg:$0x1];
	s2 =	simm.s32 $0x0  }
0x3: {  	s14 =	simm.s32 $0x10080;
	s15 =	simm.s32 $0x10C80;
	s16 =	simm.s32 $0x11080  }
0x4: {  	s17 =	simm.s32 $0x11480;
	s18 =	simm.s32 $0x11A80;
	s19 =	simm.s32 $0x0  }
0x5: {  	s4 =	sand.u32 $0x1, s1;
	s3 =	sshll.u32 s0, $0x1;
	s1 =	rddreg [dreg:$0x2]  }
0x6: {  	[smem:$0x7FF] =	sst s2;
	s6 =	sadd.s32 $0x43400, s7;
	s3 =	sor.u32 s4, s3  }
0x7: {  	_ =	strace $0x80000047;
	s12 =	ssub.s32 $0x2, s4;
	s4 =	sadd.s32 $0x43000, s7  }
0x8: {  	s5 =	sshll.u32 s3, $0xD;
	s11 =	sshll.u32 s3, $0x6;
	s3 =	sadd.s32 $0x43800, s7  }
0x9: {  	s13 =	sshrl.u32 s12, $0x1;
	s8 =	sadd.s32 s5, s7;
	s9 =	sadd.s32 s11, s7  }
0xa: {  	s5 =	sadd.s32 $0x43200, s7;
	s7 =	sadd.s32 $0x43600, s7;
	s12 =	ssub.s32 s12, s13  }
0xb: {  	s10 =	sadd.s32 s10, s11;
	s13 =	simm.s32 $0x10000;
	s8 =	sadd.s32 $0x2800, s8  }
0xc: {  	s9 =	sadd.s32 $0x42800, s9;
	s11 =	smax.u32 s12, $0x1;
	s12 =	simm.s32 $0x1  }
.LBB2_1:
0xd: {  	[tilespmem:s2], [sflag:$0x1] =	stream.linear.gather [hbm4b:s8+s2], $0x10000, $0x38;
	[tilespmem:$0x11C80] =	vst v63  }
0xe: {  	_ =	swait.ge [sflag:s12], $0x10000  }
0xf: {  	[sflag:s12] =	ssyncset.done $0x0  }
0x10: {  	[sflag:s12] =	ssyncadd.s32 $0xFFFF0000  }
0x11: {  	[tilespmem:s13], [sflag:$0x1] =	stream.linear.gather [hbm4b:s3+s2], $0x80, $0x38;
	[tilespmem:$0x11C80] =	vst v63  }
0x12: {  	_ =	swait.ge [sflag:s12], $0x80  }
0x13: {  	[sflag:s12] =	ssyncset.done $0x0  }
0x14: {  	[sflag:s12] =	ssyncadd.s32 $0xFFFFFF80  }
0x15: {  	[tilespmem:s14], [sflag:$0x1] =	stream.linear.gather [hbm4b:s4+s2], $0xC00, $0x38;
	[tilespmem:$0x11C80] =	vst v63  }
0x16: {  	_ =	swait.ge [sflag:s12], $0xC00  }
0x17: {  	[sflag:s12] =	ssyncset.done $0x0  }
0x18: {  	[sflag:s12] =	ssyncadd.s32 $0xFFFFF400  }
0x19: {  	[tilespmem:s15], [sflag:$0x1] =	stream.linear.gather [hbm4b:s5+s2], $0x400, $0x38;
	[tilespmem:$0x11C80] =	vst v63  }
0x1a: {  	_ =	swait.ge [sflag:s12], $0x400  }
0x1b: {  	[sflag:s12] =	ssyncset.done $0x0  }
0x1c: {  	[sflag:s12] =	ssyncadd.s32 $0xFFFFFC00  }
0x1d: {  	[tilespmem:s16], [sflag:$0x1] =	stream.linear.gather [hbm4b:s6+s2], $0x400, $0x38;
	[tilespmem:$0x11C80] =	vst v63  }
0x1e: {  	_ =	swait.ge [sflag:s12], $0x400  }
0x1f: {  	[sflag:s12] =	ssyncset.done $0x0  }
0x20: {  	[sflag:s12] =	ssyncadd.s32 $0xFFFFFC00  }
0x21: {  	[tilespmem:s17], [sflag:$0x1] =	stream.linear.gather [hbm4b:s7+s2], $0x400, $0x38;
	[tilespmem:$0x11C80] =	vst v63  }
0x22: {  	_ =	swait.ge [sflag:s12], $0x400  }
0x23: {  	[sflag:s12] =	ssyncset.done $0x0  }
0x24: {  	s21 =	simm.s32 $0x11880;
	[sflag:s12] =	ssyncadd.s32 $0xFFFFFC00  }
0x25: {  	[tilespmem:s21], [sflag:$0x1] =	stream.linear.gather [hbm4b:s9+s2], $0x200, $0x38;
	[tilespmem:$0x11C80] =	vst v63  }
0x26: {  	_ =	swait.ge [sflag:s12], $0x200  }
0x27: {  	s20 =	sand.u32 $0x70, s2;
	s22 =	sand.u32 $0xC00, s2;
	[sflag:s12] =	ssyncset.done $0x0  }
0x28: {  	s20 =	sor.u32 s20, s22;
	[sflag:s12] =	ssyncadd.s32 $0xFFFFFE00  }
0x29: {  	v0 =	vld [tilespmem:s20+$0xE080]  }
0x2a: {  	v1 =	vld [tilespmem:s20+$0x2180]  }
0x2b: {  	v3 =	vld [tilespmem:s20+$0x5180]  }
0x2c: {  	v4 =	vld [tilespmem:s20+$0xE000]  }
0x2d: {  	v5 =	vld [tilespmem:s20+$0x2100]  }
0x2e: {  	v7 =	vld [tilespmem:s20+$0x5100]  }
0x2f: {  	v8 =	vld [tilespmem:s20+$0xD380]  }
0x30: {  	v9 =	vld [tilespmem:s20+$0x2080]  }
0x31: {  	v10 =	vld [tilespmem:s20+$0x5080]  }
0x32: {  	v11 =	vld [tilespmem:s20+$0xD300]  }
0x33: {  	v12 =	vld [tilespmem:s20+$0x2000]  }
0x34: {  	v13 =	vld [tilespmem:s20+$0xD280]  }
0x35: {  	v14 =	vld [tilespmem:s20+$0x1380]  }
0x36: {  	v15 =	vld [tilespmem:s20+$0x4380]  }
0x37: {  	v16 =	vld [tilespmem:s20+$0xD200]  }
0x38: {  	v17 =	vld [tilespmem:s20+$0x1300]  }
0x39: {  	v18 =	vld [tilespmem:s20+$0xD180]  }
0x3a: {  	v19 =	vld [tilespmem:s20+$0x1280]  }
0x3b: {  	v20 =	vld [tilespmem:s20+$0x4280]  }
0x3c: {  	v21 =	vld [tilespmem:s20+$0xD100]  }
0x3d: {  	v22 =	vld [tilespmem:s20+$0x1200]  }
0x3e: {  	v23 =	vld [tilespmem:s20+$0xD080]  }
0x3f: {  	v24 =	vld [tilespmem:s20+$0x1180]  }
0x40: {  	v25 =	vld [tilespmem:s20+$0x4180]  }
0x41: {  	v0 =	vld.idx.msk [tilespmem:v0+s17+$0x0], $0xffff  }
0x42: {  	v26 =	vld [tilespmem:s20+$0xD000]  }
0x43: {  	v27 =	vld [tilespmem:s20+$0x1100]  }
0x44: {  	v28 =	vld [tilespmem:s20+$0xC380]  }
0x45: {  	v29 =	vld [tilespmem:s20+$0x1080]  }
0x46: {  	[tilespmem:$0x1FD30] =	vst v0;
	v0 =	vld.idx.msk [tilespmem:v1+s13+$0x0], $0xffff  }
0x47: {  	v30 =	vld [tilespmem:s20+$0x4080]  }
0x48: {  	v31 =	vld [tilespmem:s20+$0xC300]  }
0x49: {  	v33 =	vld [tilespmem:s20+$0x1000]  }
0x4a: {  	s29 =	sor.u32 s2, s2;
	v34 =	vld [tilespmem:s20+$0xC280]  }
0x4b: {  	s22 =	sor.u32 $0x380, s29;
	[tilespmem:$0x1FD80] =	vst v0;
	v0 =	vld.idx.msk [tilespmem:v3+s14+$0x0], $0xffff  }
0x4c: {  	v35 =	vld [tilespmem:s22+$0x0]  }
0x4d: {  	v36 =	vld [tilespmem:s20+$0xC200]  }
0x4e: {  	v37 =	vld [tilespmem:s20+$0x300]  }
0x4f: {  	v58 =	vld [tilespmem:s20+$0xC180]  }
0x50: {  	[tilespmem:$0x1FD90] =	vst v0;
	v0 =	vld.idx.msk [tilespmem:v4+s17+$0x0], $0xffff  }
0x51: {  	v59 =	vld [tilespmem:s20+$0x280]  }
0x52: {  	v39 =	vld [tilespmem:s20+$0x3280]  }
0x53: {  	v60 =	vld [tilespmem:s20+$0x200]  }
0x54: {  	v61 =	vld [tilespmem:s20+$0x180]  }
0x55: {  	[tilespmem:$0x1FD20] =	vst v0;
	v0 =	vld.idx.msk [tilespmem:v5+s13+$0x0], $0xffff  }
0x56: {  	v45 =	vld [tilespmem:s20+$0x3180]  }
0x57: {  	v46 =	vld [tilespmem:s20+$0x3200]  }
0x58: {  	v47 =	vld [tilespmem:s20+$0x6200]  }
0x59: {  	v48 =	vld [tilespmem:s20+$0x9200]  }
0x5a: {  	[tilespmem:$0x1FD60] =	vst v0;
	v0 =	vld.idx.msk [tilespmem:v7+s14+$0x0], $0xffff  }
0x5b: {  	v49 =	vld [tilespmem:s20+$0xC000]  }
0x5c: {  	v50 =	vld [tilespmem:s20+$0x100]  }
0x5d: {  	v53 =	vld [tilespmem:s20+$0x80]  }
0x5e: {  	v54 =	vld [tilespmem:s20+$0x3100]  }
0x5f: {  	[tilespmem:$0x1FD70] =	vst v0;
	v0 =	vld.idx.msk [tilespmem:v8+s17+$0x0], $0xffff  }
0x60: {  	v55 =	vld [tilespmem:s20+$0x6100]  }
0x61: {  	v56 =	vld [tilespmem:s20+$0x9100]  }
0x62: {  	v57 =	vld [tilespmem:s20+$0x3080]  }
0x63: {  	v62 =	vld [tilespmem:s20+$0x6080]  }
0x64: {  	[tilespmem:$0x1FCE0] =	vst v0;
	v0 =	vld.idx.msk [tilespmem:v9+s13+$0x0], $0xffff  }
0x65: {  	v63 =	vld [tilespmem:s20+$0x9080]  }
0x66: {  	v2 =	vld [tilespmem:s20+$0x7080]  }
0x67: {  	v21 =	vld.idx.msk [tilespmem:v21+s17+$0x0], $0xffff  }
0x68: {  	v23 =	vld.idx.msk [tilespmem:v23+s17+$0x0], $0xffff  }
0x69: {  	[tilespmem:$0x1FD40] =	vst v0;
	v0 =	vld.idx.msk [tilespmem:v10+s14+$0x0], $0xffff  }
0x6a: {  	v26 =	vld.idx.msk [tilespmem:v26+s17+$0x0], $0xffff  }
0x6b: {  	v28 =	vld.idx.msk [tilespmem:v28+s17+$0x0], $0xffff  }
0x6c: {  	v32 =	vld.idx.msk [tilespmem:v31+s17+$0x0], $0xffff  }
0x6d: {  	v38 =	vld.idx.msk [tilespmem:v34+s17+$0x0], $0xffff  }
0x6e: {  	[tilespmem:$0x1FD50] =	vst v0;
	v0 =	vld.idx.msk [tilespmem:v11+s17+$0x0], $0xffff  }
0x6f: {  	v31 =	vld.idx.msk [tilespmem:v35+s13+$0x0], $0xffff  }
0x70: {  	v40 =	vld.idx.msk [tilespmem:v36+s17+$0x0], $0xffff  }
0x71: {  	v37 =	vld.idx.msk [tilespmem:v37+s13+$0x0], $0xffff  }
0x72: {  	v41 =	vld.idx.msk [tilespmem:v58+s17+$0x0], $0xffff  }
0x73: {  	[tilespmem:$0x1FCD0] =	vst v0;
	v0 =	vld.idx.msk [tilespmem:v12+s13+$0x0], $0xffff  }
0x74: {  	v42 =	vld.idx.msk [tilespmem:v59+s13+$0x0], $0xffff  }
0x75: {  	v39 =	vld.idx.msk [tilespmem:v39+s14+$0x0], $0xffff  }
0x76: {  	v34 =	vld [tilespmem:s20+$0x6280]  }
0x77: {  	v35 =	vld [tilespmem:s20+$0x9280]  }
0x78: {  	[tilespmem:$0x1FD10] =	vst v0;
	v0 =	vld.idx.msk [tilespmem:v13+s17+$0x0], $0xffff  }
0x79: {  	v44 =	vld.idx.msk [tilespmem:v60+s13+$0x0], $0xffff  }
0x7a: {  	v52 =	vld.idx.msk [tilespmem:v61+s13+$0x0], $0xffff  }
0x7b: {  	v45 =	vld.idx.msk [tilespmem:v45+s14+$0x0], $0xffff  }
0x7c: {  	v36 =	vld [tilespmem:s20+$0x9180]  }
0x7d: {  	[tilespmem:$0x1FC90] =	vst v0;
	v0 =	vld.idx.msk [tilespmem:v14+s13+$0x0], $0xffff  }
0x7e: {  	v49 =	vld.idx.msk [tilespmem:v49+s17+$0x0], $0xffff  }
0x7f: {  	v50 =	vld.idx.msk [tilespmem:v50+s13+$0x0], $0xffff  }
0x80: {  	v58 =	vld [tilespmem:s20+$0x0]  }
0x81: {  	v59 =	vld [tilespmem:s20+$0x3000]  }
0x82: {  	[tilespmem:$0x1FCF0] =	vst v0;
	v0 =	vld.idx.msk [tilespmem:v15+s14+$0x0], $0xffff  }
0x83: {  	v60 =	vld [tilespmem:s20+$0x6000]  }
0x84: {  	v61 =	vld [tilespmem:s20+$0x9000]  }
0x85: {  	v53 =	vld.idx.msk [tilespmem:v53+s13+$0x0], $0xffff  }
0x86: {  	v57 =	vld.idx.msk [tilespmem:v57+s14+$0x0], $0xffff  }
0x87: {  	[tilespmem:$0x1FD00] =	vst v0;
	v0 =	vld.idx.msk [tilespmem:v16+s17+$0x0], $0xffff  }
0x88: {  	v62 =	vld.idx.msk [tilespmem:v62+s15+$0x0], $0xffff  }
0x89: {  	v63 =	vld.idx.msk [tilespmem:v63+s16+$0x0], $0xffff  }
0x8a: {  	v54 =	vld.idx.msk [tilespmem:v54+s14+$0x0], $0xffff  }
0x8b: {  	v55 =	vld.idx.msk [tilespmem:v55+s15+$0x0], $0xffff  }
0x8c: {  	[tilespmem:$0x1FC80] =	vst v0;
	v0 =	vld.idx.msk [tilespmem:v17+s13+$0x0], $0xffff  }
0x8d: {  	v56 =	vld.idx.msk [tilespmem:v56+s16+$0x0], $0xffff  }
0x8e: {  	v46 =	vld.idx.msk [tilespmem:v46+s14+$0x0], $0xffff  }
0x8f: {  	v47 =	vld.idx.msk [tilespmem:v47+s15+$0x0], $0xffff  }
0x90: {  	v48 =	vld.idx.msk [tilespmem:v48+s16+$0x0], $0xffff  }
0x91: {  	[tilespmem:$0x1FCC0] =	vst v0;
	v0 =	vld.idx.msk [tilespmem:v18+s17+$0x0], $0xffff  }
0x92: {  	v1 =	vld [tilespmem:s20+$0xA000]  }
0x93: {  	v58 =	vld.idx.msk [tilespmem:v58+s13+$0x0], $0xffff  }
0x94: {  	v59 =	vld.idx.msk [tilespmem:v59+s14+$0x0], $0xffff  }
0x95: {  	v60 =	vld.idx.msk [tilespmem:v60+s15+$0x0], $0xffff  }
0x96: {  	[tilespmem:$0x1FC70] =	vst v0;
	v0 =	vld.idx.msk [tilespmem:v19+s13+$0x0], $0xffff  }
0x97: {  	v61 =	vld.idx.msk [tilespmem:v61+s16+$0x0], $0xffff  }
0x98: {  	v36 =	vld.idx.msk [tilespmem:v36+s16+$0x0], $0xffff  }
0x99: {  	v6 =	vld.idx.msk [tilespmem:v35+s16+$0x0], $0xffff  }
0x9a: {  	v3 =	vld [tilespmem:s20+$0xA080]  }
0x9b: {  	[tilespmem:$0x1FCA0] =	vst v0;
	v0 =	vld.idx.msk [tilespmem:v20+s14+$0x0], $0xffff  }
0x9c: {  	v20 =	vld.idx.msk [tilespmem:v24+s13+$0x0], $0xffff  }
0x9d: {  	v24 =	vld.idx.msk [tilespmem:v27+s13+$0x0], $0xffff  }
0x9e: {  	v27 =	vld.idx.msk [tilespmem:v30+s14+$0x0], $0xffff  }
0x9f: {  	v30 =	vld [tilespmem:s20+$0x3380]  }
0xa0: {  	v5 =	vld [tilespmem:s20+$0x9300]  }
0xa1: {  	v7 =	vld.idx.msk [tilespmem:v34+s15+$0x0], $0xffff  }
0xa2: {  	v34 =	vld [tilespmem:s20+$0x9380]  }
0xa3: {  	v19 =	vld.idx.msk [tilespmem:v22+s13+$0x0], $0xffff  }
0xa4: {  	v22 =	vld.idx.msk [tilespmem:v25+s14+$0x0], $0xffff  }
0xa5: {  	v25 =	vld.idx.msk [tilespmem:v29+s13+$0x0], $0xffff  }
0xa6: {  	v29 =	vld.idx.msk [tilespmem:v33+s13+$0x0], $0xffff  }
0xa7: {  	v33 =	vld.idx.msk [tilespmem:v30+s14+$0x0], $0xffff  }
0xa8: {  	v30 =	vld [tilespmem:s20+$0xC100]  }
0xa9: {  	v35 =	vld [tilespmem:s20+$0x4000]  }
0xaa: {  	v5 =	vld.idx.msk [tilespmem:v5+s16+$0x0], $0xffff  }
0xab: {  	v34 =	vld.idx.msk [tilespmem:v34+s16+$0x0], $0xffff  }
0xac: {  	v12 =	vld.idx.msk [tilespmem:v2+s15+$0x0], $0xffff  }
0xad: {  	v2 =	vld.idx.msk [tilespmem:v3+s16+$0x0], $0xffff  }
0xae: {  	v3 =	vld [tilespmem:s20+$0xB080]  }
0xaf: {  	[tilespmem:$0x1FCB0] =	vst v0;
	v0 =	vld [tilespmem:s20+$0x6300]  }
0xb0: {  	v43 =	vld.idx.msk [tilespmem:v30+s17+$0x0], $0xffff  }
0xb1: {  	v30 =	vld [tilespmem:s20+$0xC080]  }
0xb2: {  	v10 =	vld.idx.msk [tilespmem:v35+s14+$0x0], $0xffff  }
0xb3: {  	v11 =	vld.idx.msk [tilespmem:v1+s16+$0x0], $0xffff  }
0xb4: {  	v1 =	vld [tilespmem:s21+$0x0]  }
0xb5: {  	v13 =	vld [tilespmem:s20+$0x8100]  }
0xb6: {  	v3 =	vld.idx.msk [tilespmem:v3+s16+$0x0], $0xffff  }
0xb7: {  	v8 =	vld.idx.msk [tilespmem:v0+s15+$0x0], $0xffff  }
0xb8: {  	v0 =	vld [tilespmem:s20+$0x7000]  }
0xb9: {  	v51 =	vld.idx.msk [tilespmem:v30+s17+$0x0], $0xffff  }
0xba: {  	v30 =	vld [tilespmem:s20+$0x6180]  }
0xbb: {  	v14 =	vld [tilespmem:s20+$0xB100]  }
0xbc: {  	v15 =	vld [tilespmem:s20+$0x8180]  }
0xbd: {  	v16 =	vld [tilespmem:s20+$0xB180]  }
0xbe: {  	v17 =	vld [tilespmem:s20+$0xE100]  }
0xbf: {  	v18 =	vld [tilespmem:s20+$0xE180]  }
0xc0: {  	v35 =	vld.idx.msk [tilespmem:v0+s15+$0x0], $0xffff;
	v0 =	vsub.f32 v1, v1  }
0xc1: {  	v1 =	vadd.f32 v58, v1;
	v58 =	vld [tilespmem:s20+$0x8080]  }
0xc2: {  	v49 =	vadd.f32 v49, v0;
	v59 =	vadd.f32 v59, v0;
	v4 =	vld.idx.msk [tilespmem:v30+s15+$0x0], $0xffff  }
0xc3: {  	v60 =	vadd.f32 v60, v0;
	v0 =	vadd.f32 v61, v0;
	v30 =	vld [tilespmem:s20+$0x3300]  }
0xc4: {  	v1 =	vadd.f32 v53, v1;
	v61 =	vld [tilespmem:s20+$0x4100]  }
0xc5: {  	v53 =	vadd.f32 v57, v59;
	v57 =	vld [tilespmem:s20+$0x8000];
	v0 =	vadd.f32 v63, v0  }
0xc6: {  	v59 =	vadd.f32 v62, v60;
	v60 =	vld [tilespmem:s20+$0xB000];
	v1 =	vadd.f32 v50, v1  }
0xc7: {  	v62 =	vadd.f32 v54, v53;
	v54 =	vld [tilespmem:s20+$0xA380];
	v0 =	vadd.f32 v56, v0  }
0xc8: {  	v1 =	vadd.f32 v52, v1;
	v52 =	vld [tilespmem:s20+$0x7300]  }
0xc9: {  	v53 =	vld [tilespmem:s20+$0xA300];
	v0 =	vadd.f32 v36, v0  }
0xca: {  	v63 =	vadd.f32 v55, v59;
	v55 =	vld [tilespmem:s20+$0x7280]  }
0xcb: {  	v49 =	vadd.f32 v51, v49;
	v0 =	vadd.f32 v48, v0;
	v9 =	vld.idx.msk [tilespmem:v30+s14+$0x0], $0xffff  }
0xcc: {  	v30 =	vld [tilespmem:s20+$0x6380]  }
0xcd: {  	v43 =	vadd.f32 v43, v49;
	v0 =	vadd.f32 v6, v0;
	v6 =	vld [tilespmem:s20+$0xA100]  }
0xce: {  	v59 =	vld [tilespmem:s20+$0xA280]  }
0xcf: {  	v51 =	vld [tilespmem:s20+$0x5000];
	v41 =	vadd.f32 v41, v43  }
0xd0: {  	v45 =	vadd.f32 v45, v62;
	v62 =	vld [tilespmem:s20+$0x7100];
	v4 =	vadd.f32 v4, v63  }
0xd1: {  	v1 =	vadd.f32 v44, v1;
	v49 =	vld [tilespmem:s20+$0x7380];
	v40 =	vadd.f32 v40, v41  }
0xd2: {  	v56 =	vadd.f32 v46, v45;
	v43 =	vld [tilespmem:s20+$0x4300];
	v4 =	vadd.f32 v47, v4  }
0xd3: {  	v1 =	vadd.f32 v42, v1;
	v38 =	vadd.f32 v38, v40;
	v63 =	vld [tilespmem:s20+$0x7180]  }
0xd4: {  	v0 =	vadd.f32 v5, v0;
	v4 =	vadd.f32 v7, v4;
	v30 =	vld.idx.msk [tilespmem:v30+s15+$0x0], $0xffff  }
0xd5: {  	v1 =	vadd.f32 v37, v1;
	v7 =	vadd.f32 v32, v38;
	v6 =	vld.idx.msk [tilespmem:v6+s16+$0x0], $0xffff  }
0xd6: {  	v0 =	vadd.f32 v34, v0;
	v4 =	vadd.f32 v8, v4;
	v8 =	vld [tilespmem:s20+$0xA180]  }
0xd7: {  	v39 =	vadd.f32 v39, v56;
	v5 =	vadd.f32 v28, v7;
	v7 =	vld [tilespmem:s20+$0x4200]  }
0xd8: {  	v1 =	vadd.f32 v31, v1;
	v0 =	vadd.f32 v11, v0;
	v28 =	vld [tilespmem:s20+$0x7200]  }
0xd9: {  	v9 =	vadd.f32 v9, v39;
	v4 =	vadd.f32 v30, v4;
	v30 =	vld [tilespmem:s20+$0xA200]  }
0xda: {  	v1 =	vadd.f32 v29, v1;
	v29 =	vld.idx.msk [tilespmem:v61+s14+$0x0], $0xffff;
	v0 =	vadd.f32 v2, v0  }
0xdb: {  	v5 =	vadd.f32 v26, v5;
	v26 =	vld.idx.msk [tilespmem:v62+s15+$0x0], $0xffff;
	v9 =	vadd.f32 v33, v9  }
0xdc: {  	v0 =	vadd.f32 v6, v0;
	v6 =	vld [tilespmem:$0x1FC70];
	v4 =	vadd.f32 v35, v4  }
0xdd: {  	v9 =	vadd.f32 v10, v9;
	v10 =	vld.idx.msk [tilespmem:v63+s15+$0x0], $0xffff  }
0xde: {  	v8 =	vld.idx.msk [tilespmem:v8+s16+$0x0], $0xffff;
	v4 =	vadd.f32 v12, v4  }
0xdf: {  	v5 =	vadd.f32 v23, v5;
	v2 =	vld.idx.msk [tilespmem:v7+s14+$0x0], $0xffff  }
0xe0: {  	v7 =	vld.idx.msk [tilespmem:v28+s15+$0x0], $0xffff;
	v4 =	vadd.f32 v26, v4  }
0xe1: {  	v5 =	vadd.f32 v21, v5;
	v11 =	vld.idx.msk [tilespmem:v30+s16+$0x0], $0xffff  }
0xe2: {  	v9 =	vadd.f32 v27, v9;
	v4 =	vadd.f32 v10, v4;
	v10 =	vld [tilespmem:$0x1FC80]  }
0xe3: {  	v1 =	vadd.f32 v25, v1;
	v5 =	vadd.f32 v6, v5;
	v6 =	vld.idx.msk [tilespmem:v55+s15+$0x0], $0xffff  }
0xe4: {  	v9 =	vadd.f32 v29, v9;
	v0 =	vadd.f32 v8, v0;
	v8 =	vld.idx.msk [tilespmem:v43+s14+$0x0], $0xffff  }
0xe5: {  	v1 =	vadd.f32 v24, v1;
	v12 =	vld.idx.msk [tilespmem:v59+s16+$0x0], $0xffff  }
0xe6: {  	v9 =	vadd.f32 v22, v9;
	v0 =	vadd.f32 v11, v0;
	v11 =	vld [tilespmem:$0x1FCA0]  }
0xe7: {  	v1 =	vadd.f32 v20, v1;
	v5 =	vadd.f32 v10, v5;
	v10 =	vld.idx.msk [tilespmem:v52+s15+$0x0], $0xffff  }
0xe8: {  	v2 =	vadd.f32 v2, v9;
	v9 =	vld [tilespmem:$0x1FC90];
	v4 =	vadd.f32 v7, v4  }
0xe9: {  	v1 =	vadd.f32 v19, v1;
	v7 =	vld.idx.msk [tilespmem:v53+s16+$0x0], $0xffff  }
0xea: {  	v4 =	vadd.f32 v6, v4;
	v0 =	vadd.f32 v12, v0;
	v12 =	vld [tilespmem:$0x1FCC0]  }
0xeb: {  	v1 =	vadd.f32 v11, v1;
	v11 =	vld [tilespmem:$0x1FCB0]  }
0xec: {  	v4 =	vadd.f32 v10, v4;
	v10 =	vld [tilespmem:$0x1FCF0]  }
0xed: {  	v6 =	vld.idx.msk [tilespmem:v51+s14+$0x0], $0xffff  }
0xee: {  	v5 =	vadd.f32 v9, v5;
	v9 =	vld.idx.msk [tilespmem:v49+s15+$0x0], $0xffff  }
0xef: {  	v1 =	vadd.f32 v12, v1;
	v12 =	vld [tilespmem:$0x1FCD0]  }
0xf0: {  	v2 =	vadd.f32 v11, v2;
	v11 =	vld.idx.msk [tilespmem:v54+s16+$0x0], $0xffff  }
0xf1: {  	v1 =	vadd.f32 v10, v1;
	v10 =	vld [tilespmem:$0x1FD00]  }
0xf2: {  	v0 =	vadd.f32 v7, v0;
	v7 =	vld [tilespmem:$0x1FCE0]  }
0xf3: {  	v2 =	vadd.f32 v8, v2;
	v8 =	vld.idx.msk [tilespmem:v60+s16+$0x0], $0xffff  }
0xf4: {  	v4 =	vadd.f32 v9, v4;
	v9 =	vld.idx.msk [tilespmem:v13+s15+$0x0], $0xffff  }
0xf5: {  	v5 =	vadd.f32 v12, v5;
	v12 =	vld.idx.msk [tilespmem:v57+s15+$0x0], $0xffff  }
0xf6: {  	v2 =	vadd.f32 v10, v2;
	v0 =	vadd.f32 v11, v0;
	v10 =	vld [tilespmem:$0x1FD10]  }
0xf7: {  	v5 =	vadd.f32 v7, v5;
	v7 =	vld.idx.msk [tilespmem:v58+s15+$0x0], $0xffff  }
0xf8: {  	v11 =	vld [tilespmem:$0x1FD40];
	v0 =	vadd.f32 v8, v0  }
0xf9: {  	v8 =	vld [tilespmem:$0x1FD30]  }
0xfa: {  	v4 =	vadd.f32 v12, v4;
	v0 =	vadd.f32 v3, v0;
	v3 =	vld [tilespmem:$0x1FD60]  }
0xfb: {  	v1 =	vadd.f32 v10, v1;
	v10 =	vld [tilespmem:$0x1FD20]  }
0xfc: {  	v4 =	vadd.f32 v7, v4;
	v7 =	vld [tilespmem:$0x1FD80]  }
0xfd: {  	v1 =	vadd.f32 v11, v1;
	v11 =	vld [tilespmem:$0x1FD50]  }
0xfe: {  	v2 =	vadd.f32 v6, v2;
	v6 =	vld.idx.msk [tilespmem:v15+s15+$0x0], $0xffff  }
0xff: {  	v1 =	vadd.f32 v3, v1;
	v3 =	vld [tilespmem:$0x1FD70]  }
0x100: {  	v5 =	vadd.f32 v10, v5;
	v10 =	vld.idx.msk [tilespmem:v14+s16+$0x0], $0xffff  }
0x101: {  	v1 =	vadd.f32 v7, v1;
	v7 =	vld [tilespmem:$0x1FD90]  }
0x102: {  	v5 =	vadd.f32 v8, v5;
	v8 =	vld.idx.msk [tilespmem:v16+s16+$0x0], $0xffff;
	v2 =	vadd.f32 v11, v2  }
0x103: {  	v11 =	vld.idx.msk [tilespmem:v17+s17+$0x0], $0xffff  }
0x104: {  	v2 =	vadd.f32 v3, v2  }
0x105: {  	v3 =	vadd.f32 v9, v4;
	v0 =	vadd.f32 v10, v0  }
0x106: {  	v4 =	vld.idx.msk [tilespmem:v18+s17+$0x0], $0xffff;
	v2 =	vadd.f32 v7, v2  }
0x107: {  	v3 =	vadd.f32 v6, v3;
	v0 =	vadd.f32 v8, v0  }
0x108: {  	v5 =	vadd.f32 v11, v5  }
0x109: {  	v1 =	vadd.f32 v2, v1;
	v0 =	vadd.f32 v0, v3;
	_ =	sdelay $0x1  }
0x10a: {  	v2 =	vadd.f32 v4, v5;
	v0 =	vadd.f32 v0, v1;
	_ =	sdelay $0x1  }
0x10b: {  	s30 =	simm.s32 $0x10;
	s20 =	simm.s32 $0x80;
	v0 =	vadd.f32 v2, v0  }
0x10c: {  	s31 =	sand.u32 $0x70, s30;
	s23 =	sand.u32 $0xC00, s20  }
0x10d: {  	s21 =	sor.u32 s31, s23;
	[tilespmem:s18+$0x0] =	vst v0  }
0x10e: {  	v0 =	vld [tilespmem:s21+$0xE080];
	_ =	sdelay $0x4  }
0x10f: {  	v1 =	vld [tilespmem:s21+$0x2180]  }
0x110: {  	v3 =	vld [tilespmem:s21+$0xE180];
	_ =	sdelay $0x1  }
0x111: {  	v0 =	vld.idx.msk [tilespmem:v0+s17+$0x0], $0xffff;
	_ =	sdelay $0x2  }
0x112: {  	[tilespmem:$0x1FDA0] =	vst v3;
	v3 =	vld [tilespmem:s21+$0xE100]  }
0x113: {  	v2 =	vld [tilespmem:s21+$0x5180]  }
0x114: {  	[tilespmem:$0x1FDC0] =	vst v0;
	v0 =	vld.idx.msk [tilespmem:v1+s13+$0x0], $0xffff  }
0x115: {  	v1 =	vld [tilespmem:s21+$0x8180];
	_ =	sdelay $0x1  }
0x116: {  	[tilespmem:$0x1FDB0] =	vst v3;
	v3 =	vld [tilespmem:s21+$0xE000];
	_ =	sdelay $0x2  }
0x117: {  	[tilespmem:$0x1FDF0] =	vst v1;
	v1 =	vld [tilespmem:s21+$0xB180]  }
0x118: {  	[tilespmem:$0x1FDD0] =	vst v0;
	v0 =	vld.idx.msk [tilespmem:v2+s14+$0x0], $0xffff  }
0x119: {  	v4 =	vld [tilespmem:s21+$0x2100];
	_ =	sdelay $0x2  }
0x11a: {  	[tilespmem:$0x1FE00] =	vst v1;
	v1 =	vld.idx.msk [tilespmem:v3+s17+$0x0], $0xffff  }
0x11b: {  	[tilespmem:$0x1FDE0] =	vst v0;
	v0 =	vld [tilespmem:s21+$0x5100];
	_ =	sdelay $0x3  }
0x11c: {  	[tilespmem:$0x1FE10] =	vst v1;
	v1 =	vld.idx.msk [tilespmem:v4+s13+$0x0], $0xffff;
	_ =	sdelay $0x3  }
0x11d: {  	v0 =	vld.idx.msk [tilespmem:v0+s14+$0x0], $0xffff  }
0x11e: {  	[tilespmem:$0x1FE20] =	vst v1;
	v1 =	vld [tilespmem:s21+$0xD380];
	_ =	sdelay $0x3  }
0x11f: {  	[tilespmem:$0x1FE30] =	vst v0;
	v0 =	vld [tilespmem:s21+$0x8100]  }
0x120: {  	v2 =	vld [tilespmem:s21+$0x2080];
	_ =	sdelay $0x2  }
0x121: {  	v1 =	vld.idx.msk [tilespmem:v1+s17+$0x0], $0xffff  }
0x122: {  	[tilespmem:$0x1FE40] =	vst v0;
	v0 =	vld [tilespmem:s21+$0xD300]  }
0x123: {  	v3 =	vld [tilespmem:s21+$0x5080];
	_ =	sdelay $0x2  }
0x124: {  	[tilespmem:$0x1FE60] =	vst v1;
	v1 =	vld.idx.msk [tilespmem:v2+s13+$0x0], $0xffff  }
0x125: {  	v4 =	vld [tilespmem:s21+$0x2000];
	_ =	sdelay $0x2  }
0x126: {  	v0 =	vld.idx.msk [tilespmem:v0+s17+$0x0], $0xffff  }
0x127: {  	[tilespmem:$0x1FE70] =	vst v1;
	v1 =	vld.idx.msk [tilespmem:v3+s14+$0x0], $0xffff;
	_ =	sdelay $0x3  }
0x128: {  	[tilespmem:$0x1FEB0] =	vst v0;
	v0 =	vld.idx.msk [tilespmem:v4+s13+$0x0], $0xffff  }
0x129: {  	[tilespmem:$0x1FE80] =	vst v1;
	v1 =	vld [tilespmem:s21+$0x8080];
	_ =	sdelay $0x2  }
0x12a: {  	v5 =	vld [tilespmem:s21+$0xB100]  }
0x12b: {  	[tilespmem:$0x1FEC0] =	vst v0;
	v0 =	vld [tilespmem:s21+$0xD280]  }
0x12c: {  	[tilespmem:$0x1FE90] =	vst v1;
	v1 =	vld [tilespmem:s21+$0xB080]  }
0x12d: {  	v6 =	vld [tilespmem:s21+$0xC100]  }
0x12e: {  	v7 =	vld [tilespmem:s21+$0x200]  }
0x12f: {  	v9 =	vld [tilespmem:s21+$0x100]  }
0x130: {  	v10 =	vld [tilespmem:s21+$0x3080]  }
0x131: {  	[tilespmem:$0x1FEA0] =	vst v1;
	v1 =	vld [tilespmem:s21+$0x1380]  }
0x132: {  	v11 =	vld [tilespmem:s21+$0x0]  }
0x133: {  	v14 =	vld [tilespmem:s21+$0x3000]  }
0x134: {  	v0 =	vld.idx.msk [tilespmem:v0+s17+$0x0], $0xffff  }
0x135: {  	v40 =	vld [tilespmem:s21+$0x7280]  }
0x136: {  	v2 =	vld [tilespmem:s21+$0x4380]  }
0x137: {  	v39 =	vld [tilespmem:s21+$0xA280]  }
0x138: {  	v46 =	vld [tilespmem:s21+$0x4200]  }
0x139: {  	[tilespmem:$0x1FF00] =	vst v0;
	v0 =	vld.idx.msk [tilespmem:v1+s13+$0x0], $0xffff  }
0x13a: {  	v43 =	vld [tilespmem:s21+$0x7200]  }
0x13b: {  	v44 =	vld [tilespmem:s21+$0xA200]  }
0x13c: {  	v50 =	vld [tilespmem:s21+$0x7180]  }
0x13d: {  	v49 =	vld [tilespmem:s21+$0xA180]  }
0x13e: {  	[tilespmem:$0x1FF10] =	vst v0;
	v0 =	vld.idx.msk [tilespmem:v2+s14+$0x0], $0xffff  }
0x13f: {  	v55 =	vld [tilespmem:s21+$0x4100]  }
0x140: {  	v53 =	vld [tilespmem:s21+$0x7100]  }
0x141: {  	v54 =	vld [tilespmem:s21+$0xA100]  }
0x142: {  	v60 =	vld [tilespmem:s21+$0x7080]  }
0x143: {  	[tilespmem:$0x1FF20] =	vst v0;
	v0 =	vld [tilespmem:s21+$0x7380]  }
0x144: {  	v59 =	vld [tilespmem:s21+$0xA080]  }
0x145: {  	v63 =	vld [tilespmem:s21+$0x7000]  }
0x146: {  	v16 =	vld [tilespmem:s21+$0x6280]  }
0x147: {  	v3 =	vld [tilespmem:s21+$0x5000]  }
0x148: {  	[tilespmem:$0x1FF30] =	vst v0;
	v0 =	vld [tilespmem:s21+$0xA380]  }
0x149: {  	v21 =	vld [tilespmem:s21+$0x3200]  }
0x14a: {  	v20 =	vld [tilespmem:s21+$0x6200]  }
0x14b: {  	v18 =	vld [tilespmem:s21+$0x9200]  }
0x14c: {  	[tilespmem:$0x1FED0] =	vst v3;
	v3 =	vld [tilespmem:s21+$0x8000]  }
0x14d: {  	[tilespmem:$0x1FF40] =	vst v0;
	v0 =	vld [tilespmem:s21+$0xD180]  }
0x14e: {  	v25 =	vld [tilespmem:s21+$0x6180]  }
0x14f: {  	v24 =	vld [tilespmem:s21+$0x9180]  }
0x150: {  	v31 =	vld [tilespmem:s21+$0x3100]  }
0x151: {  	[tilespmem:$0x1FEE0] =	vst v3;
	v3 =	vld [tilespmem:s21+$0xD200]  }
0x152: {  	v1 =	vld [tilespmem:s21+$0x1280]  }
0x153: {  	v30 =	vld [tilespmem:s21+$0x6100]  }
0x154: {  	v28 =	vld [tilespmem:s21+$0x9100]  }
0x155: {  	v0 =	vld.idx.msk [tilespmem:v0+s17+$0x0], $0xffff  }
0x156: {  	v4 =	vld [tilespmem:s21+$0x1300]  }
0x157: {  	v33 =	vld [tilespmem:s21+$0x6000]  }
0x158: {  	v34 =	vld [tilespmem:s21+$0x9000]  }
0x159: {  	v2 =	vld.idx.msk [tilespmem:v3+s17+$0x0], $0xffff  }
0x15a: {  	[tilespmem:$0x1FF80] =	vst v0;
	v0 =	vld.idx.msk [tilespmem:v1+s13+$0x0], $0xffff  }
0x15b: {  	v35 =	vld [tilespmem:s21+$0x6080]  }
0x15c: {  	v32 =	vld [tilespmem:s21+$0x9080]  }
0x15d: {  	[tilespmem:$0x1FE50] =	vst v5;
	v5 =	vld [tilespmem:s21+$0xB000]  }
0x15e: {  	[tilespmem:$0x1FF50] =	vst v2;
	v2 =	vld.idx.msk [tilespmem:v4+s13+$0x0], $0xffff  }
0x15f: {  	[tilespmem:$0x1FF90] =	vst v0;
	v0 =	vld [tilespmem:s21+$0xD080]  }
0x160: {  	v1 =	vld [tilespmem:s21+$0x1180]  }
0x161: {  	v12 =	vld.idx.msk [tilespmem:v6+s17+$0x0], $0xffff  }
0x162: {  	v7 =	vld.idx.msk [tilespmem:v7+s13+$0x0], $0xffff  }
0x163: {  	v4 =	vld [tilespmem:s21+$0x4300]  }
0x164: {  	[tilespmem:$0x1FF60] =	vst v2;
	v2 =	vld [tilespmem:s21+$0x4280]  }
0x165: {  	v6 =	vld [tilespmem:s21+$0xC000]  }
0x166: {  	v19 =	vld.idx.msk [tilespmem:v9+s13+$0x0], $0xffff  }
0x167: {  	v41 =	vld.idx.msk [tilespmem:v0+s17+$0x0], $0xffff  }
0x168: {  	v0 =	vld.idx.msk [tilespmem:v1+s13+$0x0], $0xffff  }
0x169: {  	[tilespmem:$0x1FF70] =	vst v4;
	v4 =	vld [tilespmem:s21+$0x1200]  }
0x16a: {  	v3 =	vld [tilespmem:s21+$0xD100]  }
0x16b: {  	v26 =	vld.idx.msk [tilespmem:v10+s14+$0x0], $0xffff  }
0x16c: {  	v2 =	vld.idx.msk [tilespmem:v2+s14+$0x0], $0xffff  }
0x16d: {  	[tilespmem:$0x1FFD0] =	vst v0;
	v0 =	vld [tilespmem:s21+$0xC380]  }
0x16e: {  	v29 =	vld.idx.msk [tilespmem:v11+s13+$0x0], $0xffff  }
0x16f: {  	v27 =	vld.idx.msk [tilespmem:v14+s14+$0x0], $0xffff  }
0x170: {  	v11 =	vld [tilespmem:s21+$0x3300]  }
0x171: {  	v4 =	vld.idx.msk [tilespmem:v4+s13+$0x0], $0xffff  }
0x172: {  	[tilespmem:$0x1FFA0] =	vst v2;
	v2 =	vld.idx.msk [tilespmem:v3+s17+$0x0], $0xffff  }
0x173: {  	v3 =	vld [tilespmem:s21+$0xD000]  }
0x174: {  	v9 =	vld [tilespmem:s21+$0x6300]  }
0x175: {  	v51 =	vld.idx.msk [tilespmem:v0+s17+$0x0], $0xffff  }
0x176: {  	v0 =	vld [tilespmem:s21+$0xC280]  }
0x177: {  	v10 =	vld [tilespmem:s21+$0x9300]  }
0x178: {  	[tilespmem:$0x1FFC0] =	vst v4;
	v4 =	vld [tilespmem:s21+$0x1100]  }
0x179: {  	[tilespmem:$0x1FEF0] =	vst v5;
	v5 =	vld [tilespmem:s21+$0x3280]  }
0x17a: {  	[tilespmem:$0x1FFB0] =	vst v2;
	v2 =	vld [tilespmem:s21+$0x4180]  }
0x17b: {  	v45 =	vld.idx.msk [tilespmem:v3+s17+$0x0], $0xffff  }
0x17c: {  	v3 =	vld [tilespmem:s21+$0xC300]  }
0x17d: {  	v1 =	vld [tilespmem:s21+$0x1080]  }
0x17e: {  	v61 =	vld.idx.msk [tilespmem:v0+s17+$0x0], $0xffff  }
0x17f: {  	v0 =	vld [tilespmem:s21+$0xC180]  }
0x180: {  	v42 =	vld.idx.msk [tilespmem:v4+s13+$0x0], $0xffff  }
0x181: {  	v4 =	vld [tilespmem:s21+$0x1000]  }
0x182: {  	v38 =	vld.idx.msk [tilespmem:v2+s14+$0x0], $0xffff  }
0x183: {  	v2 =	vld [tilespmem:s21+$0x4080]  }
0x184: {  	s22 =	sor.u32 s20, s30;
	v56 =	vld.idx.msk [tilespmem:v3+s17+$0x0], $0xffff  }
0x185: {  	s22 =	sor.u32 $0x380, s22;
	v47 =	vld.idx.msk [tilespmem:v1+s13+$0x0], $0xffff  }
0x186: {  	v1 =	vld [tilespmem:s22+$0x0]  }
0x187: {  	v8 =	vld.idx.msk [tilespmem:v0+s17+$0x0], $0xffff  }
0x188: {  	v0 =	vld [tilespmem:s21+$0xC080]  }
0x189: {  	v52 =	vld.idx.msk [tilespmem:v4+s13+$0x0], $0xffff  }
0x18a: {  	v4 =	vld [tilespmem:s21+$0x300]  }
0x18b: {  	v3 =	vld [tilespmem:s21+$0xC200]  }
0x18c: {  	v48 =	vld.idx.msk [tilespmem:v2+s14+$0x0], $0xffff  }
0x18d: {  	v2 =	vld [tilespmem:s21+$0x3380]  }
0x18e: {  	v57 =	vld.idx.msk [tilespmem:v1+s13+$0x0], $0xffff  }
0x18f: {  	v1 =	vld [tilespmem:s21+$0x280]  }
0x190: {  	v17 =	vld.idx.msk [tilespmem:v0+s17+$0x0], $0xffff  }
0x191: {  	v0 =	vld [tilespmem:s21+$0x80]  }
0x192: {  	v62 =	vld.idx.msk [tilespmem:v4+s13+$0x0], $0xffff  }
0x193: {  	v4 =	vld.idx.msk [tilespmem:v5+s14+$0x0], $0xffff  }
0x194: {  	v5 =	vld [tilespmem:s21+$0x3180]  }
0x195: {  	v58 =	vld.idx.msk [tilespmem:v2+s14+$0x0], $0xffff  }
0x196: {  	v2 =	vld.idx.msk [tilespmem:v3+s17+$0x0], $0xffff  }
0x197: {  	v3 =	vld.idx.msk [tilespmem:v1+s13+$0x0], $0xffff  }
0x198: {  	v1 =	vld [tilespmem:s21+$0x180]  }
0x199: {  	v22 =	vld.idx.msk [tilespmem:v0+s13+$0x0], $0xffff  }
0x19a: {  	v0 =	vld [tilespmem:s21+$0x7300]  }
0x19b: {  	v14 =	vld [tilespmem:s21+$0x9280]  }
0x19c: {  	v23 =	vld.idx.msk [tilespmem:v6+s17+$0x0], $0xffff  }
0x19d: {  	v6 =	vld [tilespmem:s21+$0x6380];
	s22 =	simm.s32 $0x11890  }
0x19e: {  	v36 =	vld [tilespmem:s22+$0x0]  }
0x19f: {  	[tilespmem:$0x1FFE0] =	vst v0;
	v0 =	vld [tilespmem:s21+$0xA300]  }
0x1a0: {  	v15 =	vld.idx.msk [tilespmem:v5+s14+$0x0], $0xffff  }
0x1a1: {  	v5 =	vld [tilespmem:s21+$0x9380]  }
0x1a2: {  	v13 =	vld.idx.msk [tilespmem:v1+s13+$0x0], $0xffff  }
0x1a3: {  	v1 =	vld [tilespmem:s21+$0x4000]  }
0x1a4: {  	s23 =	simm.s32 $0x20;
	[tilespmem:$0x1FFF0] =	vst v0;
	v0 =	vld [tilespmem:s21+$0xA000];
	s21 =	simm.s32 $0x11A80  }
.LBB2_2:
0x1a5: {  	v33 =	vld.idx.msk [tilespmem:v33+s15+$0x0], $0xffff  }
0x1a6: {  	v34 =	vld.idx.msk [tilespmem:v34+s16+$0x0], $0xffff  }
0x1a7: {  	v35 =	vld.idx.msk [tilespmem:v35+s15+$0x0], $0xffff  }
0x1a8: {  	v32 =	vld.idx.msk [tilespmem:v32+s16+$0x0], $0xffff  }
0x1a9: {  	v31 =	vld.idx.msk [tilespmem:v31+s14+$0x0], $0xffff  }
0x1aa: {  	v37 =	vsub.f32 v36, v36;
	v30 =	vld.idx.msk [tilespmem:v30+s15+$0x0], $0xffff  }
0x1ab: {  	v29 =	vadd.f32 v29, v36;
	v28 =	vld.idx.msk [tilespmem:v28+s16+$0x0], $0xffff  }
0x1ac: {  	v24 =	vld.idx.msk [tilespmem:v24+s16+$0x0], $0xffff;
	v23 =	vadd.f32 v23, v37;
	v27 =	vadd.f32 v27, v37  }
0x1ad: {  	v21 =	vld.idx.msk [tilespmem:v21+s14+$0x0], $0xffff;
	v22 =	vadd.f32 v22, v29  }
0x1ae: {  	v17 =	vadd.f32 v17, v23;
	v23 =	vld.idx.msk [tilespmem:v25+s15+$0x0], $0xffff;
	v25 =	vadd.f32 v26, v27  }
0x1af: {  	v18 =	vld.idx.msk [tilespmem:v18+s16+$0x0], $0xffff;
	v19 =	vadd.f32 v19, v22;
	v33 =	vadd.f32 v33, v37  }
0x1b0: {  	v14 =	vld.idx.msk [tilespmem:v14+s16+$0x0], $0xffff;
	v34 =	vadd.f32 v34, v37;
	v12 =	vadd.f32 v12, v17  }
0x1b1: {  	v17 =	vld.idx.msk [tilespmem:v20+s15+$0x0], $0xffff;
	v20 =	vadd.f32 v31, v25;
	v13 =	vadd.f32 v13, v19  }
0x1b2: {  	v11 =	vld.idx.msk [tilespmem:v11+s14+$0x0], $0xffff;
	v26 =	vadd.f32 v35, v33;
	v27 =	vadd.f32 v32, v34  }
0x1b3: {  	v10 =	vld.idx.msk [tilespmem:v10+s16+$0x0], $0xffff;
	v8 =	vadd.f32 v8, v12;
	v15 =	vadd.f32 v15, v20  }
0x1b4: {  	v12 =	vld.idx.msk [tilespmem:v16+s15+$0x0], $0xffff;
	v22 =	vadd.f32 v30, v26;
	v25 =	vadd.f32 v28, v27  }
0x1b5: {  	v2 =	vadd.f32 v2, v8;
	v8 =	vld.idx.msk [tilespmem:v9+s15+$0x0], $0xffff;
	v9 =	vadd.f32 v21, v15  }
0x1b6: {  	v6 =	vld.idx.msk [tilespmem:v6+s15+$0x0], $0xffff;
	v16 =	vadd.f32 v23, v22;
	v19 =	vadd.f32 v24, v25  }
0x1b7: {  	v5 =	vld.idx.msk [tilespmem:v5+s16+$0x0], $0xffff;
	v7 =	vadd.f32 v7, v13;
	v4 =	vadd.f32 v4, v9  }
0x1b8: {  	v1 =	vld.idx.msk [tilespmem:v1+s14+$0x0], $0xffff;
	v13 =	vadd.f32 v17, v16;
	v15 =	vadd.f32 v18, v19  }
0x1b9: {  	v0 =	vld.idx.msk [tilespmem:v0+s16+$0x0], $0xffff;
	v3 =	vadd.f32 v3, v7;
	v4 =	vadd.f32 v11, v4  }
0x1ba: {  	v11 =	vld.idx.msk [tilespmem:v49+s16+$0x0], $0xffff;
	v7 =	vadd.f32 v12, v13;
	v9 =	vadd.f32 v14, v15  }
0x1bb: {  	v12 =	vld.idx.msk [tilespmem:v63+s15+$0x0], $0xffff  }
0x1bc: {  	v7 =	vadd.f32 v8, v7;
	v8 =	vadd.f32 v10, v9;
	v9 =	vld.idx.msk [tilespmem:v60+s15+$0x0], $0xffff  }
0x1bd: {  	v2 =	vadd.f32 v61, v2;
	v3 =	vadd.f32 v62, v3;
	v10 =	vld.idx.msk [tilespmem:v59+s16+$0x0], $0xffff  }
0x1be: {  	v4 =	vadd.f32 v58, v4;
	v6 =	vadd.f32 v6, v7;
	v7 =	vld.idx.msk [tilespmem:v55+s14+$0x0], $0xffff  }
0x1bf: {  	v2 =	vadd.f32 v56, v2;
	v5 =	vadd.f32 v5, v8;
	v8 =	vld.idx.msk [tilespmem:v53+s15+$0x0], $0xffff  }
0x1c0: {  	v1 =	vadd.f32 v1, v4;
	v4 =	vadd.f32 v12, v6;
	v6 =	vld.idx.msk [tilespmem:v54+s16+$0x0], $0xffff  }
0x1c1: {  	v2 =	vadd.f32 v51, v2;
	v0 =	vadd.f32 v0, v5;
	v5 =	vld.idx.msk [tilespmem:v50+s15+$0x0], $0xffff  }
0x1c2: {  	v1 =	vadd.f32 v48, v1;
	v4 =	vadd.f32 v9, v4;
	v9 =	vld.idx.msk [tilespmem:v46+s14+$0x0], $0xffff  }
0x1c3: {  	v3 =	vadd.f32 v57, v3;
	v0 =	vadd.f32 v10, v0;
	v10 =	vld [tilespmem:$0x1FFB0]  }
0x1c4: {  	v2 =	vadd.f32 v45, v2;
	v1 =	vadd.f32 v7, v1;
	v7 =	vld.idx.msk [tilespmem:v44+s16+$0x0], $0xffff  }
0x1c5: {  	v3 =	vadd.f32 v52, v3;
	v4 =	vadd.f32 v8, v4;
	v8 =	vld [tilespmem:$0x1FFD0]  }
0x1c6: {  	v2 =	vadd.f32 v41, v2;
	v0 =	vadd.f32 v6, v0;
	v6 =	vld [tilespmem:$0x1FF80]  }
0x1c7: {  	v3 =	vadd.f32 v47, v3;
	v4 =	vadd.f32 v5, v4;
	v5 =	vld [tilespmem:$0x1FF70]  }
0x1c8: {  	v1 =	vadd.f32 v38, v1;
	v2 =	vadd.f32 v10, v2;
	v10 =	vld.idx.msk [tilespmem:v43+s15+$0x0], $0xffff  }
0x1c9: {  	v3 =	vadd.f32 v42, v3;
	v0 =	vadd.f32 v11, v0;
	v11 =	vld [tilespmem:$0x1FFC0]  }
0x1ca: {  	v1 =	vadd.f32 v9, v1;
	v9 =	vld [tilespmem:$0x1FFF0]  }
0x1cb: {  	v3 =	vadd.f32 v8, v3;
	v8 =	vld.idx.msk [tilespmem:v39+s16+$0x0], $0xffff  }
0x1cc: {  	v0 =	vadd.f32 v7, v0;
	v7 =	vld [tilespmem:$0x1FF00]  }
0x1cd: {  	v2 =	vadd.f32 v6, v2;
	v6 =	vld.idx.msk [tilespmem:v40+s15+$0x0], $0xffff  }
0x1ce: {  	v3 =	vadd.f32 v11, v3;
	v11 =	vld [tilespmem:$0x1FF50]  }
0x1cf: {  	v4 =	vadd.f32 v10, v4;
	v10 =	vld [tilespmem:$0x1FF90]  }
0x1d0: {  	v5 =	vld.idx.msk [tilespmem:v5+s14+$0x0], $0xffff  }
0x1d1: {  	v0 =	vadd.f32 v8, v0;
	v8 =	vld [tilespmem:$0x1FF60]  }
0x1d2: {  	v9 =	vld.idx.msk [tilespmem:v9+s16+$0x0], $0xffff  }
0x1d3: {  	v4 =	vadd.f32 v6, v4;
	v6 =	vld [tilespmem:$0x1FED0]  }
0x1d4: {  	v3 =	vadd.f32 v10, v3;
	v10 =	vld [tilespmem:$0x1FFA0]  }
0x1d5: {  	v2 =	vadd.f32 v11, v2;
	v11 =	vld [tilespmem:$0x1FFE0]  }
0x1d6: {  	v3 =	vadd.f32 v8, v3;
	v8 =	vld [tilespmem:$0x1FEB0]  }
0x1d7: {  	v2 =	vadd.f32 v7, v2;
	v7 =	vld [tilespmem:$0x1FF30]  }
0x1d8: {  	v0 =	vadd.f32 v9, v0;
	v9 =	vld [tilespmem:$0x1FE60]  }
0x1d9: {  	v1 =	vadd.f32 v10, v1;
	v10 =	vld [tilespmem:$0x1FF40];
	_ =	sdelay $0x1  }
0x1da: {  	v2 =	vadd.f32 v8, v2;
	v8 =	vld [tilespmem:$0x1FEE0]  }
0x1db: {  	v1 =	vadd.f32 v5, v1;
	v5 =	vld [tilespmem:$0x1FEF0]  }
0x1dc: {  	v11 =	vld.idx.msk [tilespmem:v11+s15+$0x0], $0xffff  }
0x1dd: {  	v2 =	vadd.f32 v9, v2;
	v9 =	vld [tilespmem:$0x1FE90]  }
0x1de: {  	v6 =	vld.idx.msk [tilespmem:v6+s14+$0x0], $0xffff  }
0x1df: {  	v7 =	vld.idx.msk [tilespmem:v7+s15+$0x0], $0xffff  }
0x1e0: {  	v10 =	vld.idx.msk [tilespmem:v10+s16+$0x0], $0xffff  }
0x1e1: {  	v4 =	vadd.f32 v11, v4;
	v11 =	vld [tilespmem:$0x1FF10]  }
0x1e2: {  	v8 =	vld.idx.msk [tilespmem:v8+s15+$0x0], $0xffff  }
0x1e3: {  	v5 =	vld.idx.msk [tilespmem:v5+s16+$0x0], $0xffff  }
0x1e4: {  	v4 =	vadd.f32 v7, v4;
	v7 =	vld [tilespmem:$0x1FE40]  }
0x1e5: {  	v9 =	vld.idx.msk [tilespmem:v9+s15+$0x0], $0xffff  }
0x1e6: {  	v3 =	vadd.f32 v11, v3;
	v11 =	vld [tilespmem:$0x1FF20];
	v0 =	vadd.f32 v10, v0  }
0x1e7: {  	v10 =	vld [tilespmem:$0x1FEC0]  }
0x1e8: {  	v4 =	vadd.f32 v8, v4;
	v0 =	vadd.f32 v5, v0;
	v5 =	vld [tilespmem:$0x1FDC0]  }
0x1e9: {  	v8 =	vld [tilespmem:$0x1FE70]  }
0x1ea: {  	v4 =	vadd.f32 v9, v4;
	v9 =	vld [tilespmem:$0x1FE20]  }
0x1eb: {  	v1 =	vadd.f32 v11, v1;
	v11 =	vld [tilespmem:$0x1FEA0]  }
0x1ec: {  	v3 =	vadd.f32 v10, v3;
	v10 =	vld [tilespmem:$0x1FE10]  }
0x1ed: {  	v7 =	vld.idx.msk [tilespmem:v7+s15+$0x0], $0xffff  }
0x1ee: {  	v3 =	vadd.f32 v8, v3;
	v8 =	vld [tilespmem:$0x1FE80]  }
0x1ef: {  	v1 =	vadd.f32 v6, v1;
	v6 =	vld [tilespmem:$0x1FDF0]  }
0x1f0: {  	v3 =	vadd.f32 v9, v3;
	v9 =	vld [tilespmem:$0x1FE30]  }
0x1f1: {  	v2 =	vadd.f32 v10, v2;
	v10 =	vld [tilespmem:$0x1FE50];
	_ =	sdelay $0x1  }
0x1f2: {  	v2 =	vadd.f32 v5, v2;
	v5 =	vld [tilespmem:$0x1FE00];
	v1 =	vadd.f32 v8, v1  }
0x1f3: {  	v8 =	vld [tilespmem:$0x1FDB0]  }
0x1f4: {  	v1 =	vadd.f32 v9, v1;
	v9 =	vld [tilespmem:$0x1FDD0]  }
0x1f5: {  	v4 =	vadd.f32 v7, v4;
	v7 =	vld [tilespmem:$0x1FDA0]  }
0x1f6: {  	v11 =	vld.idx.msk [tilespmem:v11+s16+$0x0], $0xffff  }
0x1f7: {  	v6 =	vld.idx.msk [tilespmem:v6+s15+$0x0], $0xffff  }
0x1f8: {  	v10 =	vld.idx.msk [tilespmem:v10+s16+$0x0], $0xffff  }
0x1f9: {  	v3 =	vadd.f32 v9, v3;
	v9 =	vld [tilespmem:$0x1FDE0]  }
0x1fa: {  	v5 =	vld.idx.msk [tilespmem:v5+s16+$0x0], $0xffff  }
0x1fb: {  	v0 =	vadd.f32 v11, v0;
	v8 =	vld.idx.msk [tilespmem:v8+s17+$0x0], $0xffff;
	_ =	sdelay $0x1  }
0x1fc: {  	v0 =	vadd.f32 v10, v0  }
0x1fd: {  	v7 =	vld.idx.msk [tilespmem:v7+s17+$0x0], $0xffff;
	v4 =	vadd.f32 v6, v4  }
0x1fe: {  	v1 =	vadd.f32 v9, v1;
	v0 =	vadd.f32 v5, v0  }
0x1ff: {  	v2 =	vadd.f32 v8, v2  }
0x200: {  	v1 =	vadd.f32 v1, v3;
	v0 =	vadd.f32 v0, v4;
	_ =	sdelay $0x1  }
0x201: {  	v2 =	vadd.f32 v7, v2;
	v0 =	vadd.f32 v0, v1;
	_ =	sdelay $0x1  }
0x202: {  	s20 =	sadd.s32 $0x80, s20;
	v0 =	vadd.f32 v2, v0  }
0x203: {  	s24 =	sand.u32 $0x70, s23;
	s21 =	sadd.s32 $0x10, s21;
	s25 =	sand.u32 $0xC00, s20  }
0x204: {  	s24 =	sor.u32 s24, s25;
	[tilespmem:s21+$0x0] =	vst v0  }
0x205: {  	v0 =	vld [tilespmem:s24+$0xE080];
	_ =	sdelay $0x4  }
0x206: {  	v1 =	vld [tilespmem:s24+$0x2180]  }
0x207: {  	v3 =	vld [tilespmem:s24+$0xE180];
	_ =	sdelay $0x1  }
0x208: {  	v0 =	vld.idx.msk [tilespmem:v0+s17+$0x0], $0xffff;
	_ =	sdelay $0x2  }
0x209: {  	[tilespmem:$0x1FDA0] =	vst v3;
	v3 =	vld [tilespmem:s24+$0xE100]  }
0x20a: {  	v2 =	vld [tilespmem:s24+$0x5180]  }
0x20b: {  	[tilespmem:$0x1FDC0] =	vst v0;
	v0 =	vld.idx.msk [tilespmem:v1+s13+$0x0], $0xffff  }
0x20c: {  	v1 =	vld [tilespmem:s24+$0x8180];
	_ =	sdelay $0x1  }
0x20d: {  	[tilespmem:$0x1FDB0] =	vst v3;
	v3 =	vld [tilespmem:s24+$0xE000];
	_ =	sdelay $0x2  }
0x20e: {  	[tilespmem:$0x1FDF0] =	vst v1;
	v1 =	vld [tilespmem:s24+$0xB180]  }
0x20f: {  	[tilespmem:$0x1FDD0] =	vst v0;
	v0 =	vld.idx.msk [tilespmem:v2+s14+$0x0], $0xffff  }
0x210: {  	v4 =	vld [tilespmem:s24+$0x2100];
	_ =	sdelay $0x2  }
0x211: {  	[tilespmem:$0x1FE00] =	vst v1;
	v1 =	vld.idx.msk [tilespmem:v3+s17+$0x0], $0xffff  }
0x212: {  	[tilespmem:$0x1FDE0] =	vst v0;
	v0 =	vld [tilespmem:s24+$0x5100];
	_ =	sdelay $0x3  }
0x213: {  	[tilespmem:$0x1FE10] =	vst v1;
	v1 =	vld.idx.msk [tilespmem:v4+s13+$0x0], $0xffff;
	_ =	sdelay $0x3  }
0x214: {  	v0 =	vld.idx.msk [tilespmem:v0+s14+$0x0], $0xffff  }
0x215: {  	[tilespmem:$0x1FE20] =	vst v1;
	v1 =	vld [tilespmem:s24+$0xD380];
	_ =	sdelay $0x3  }
0x216: {  	[tilespmem:$0x1FE30] =	vst v0;
	v0 =	vld [tilespmem:s24+$0x8100]  }
0x217: {  	v2 =	vld [tilespmem:s24+$0x2080];
	_ =	sdelay $0x2  }
0x218: {  	v1 =	vld.idx.msk [tilespmem:v1+s17+$0x0], $0xffff  }
0x219: {  	[tilespmem:$0x1FE40] =	vst v0;
	v0 =	vld [tilespmem:s24+$0xD300]  }
0x21a: {  	v3 =	vld [tilespmem:s24+$0x5080];
	_ =	sdelay $0x2  }
0x21b: {  	[tilespmem:$0x1FE60] =	vst v1;
	v1 =	vld.idx.msk [tilespmem:v2+s13+$0x0], $0xffff  }
0x21c: {  	v4 =	vld [tilespmem:s24+$0x2000];
	_ =	sdelay $0x2  }
0x21d: {  	v0 =	vld.idx.msk [tilespmem:v0+s17+$0x0], $0xffff  }
0x21e: {  	[tilespmem:$0x1FE70] =	vst v1;
	v1 =	vld.idx.msk [tilespmem:v3+s14+$0x0], $0xffff;
	_ =	sdelay $0x3  }
0x21f: {  	[tilespmem:$0x1FEB0] =	vst v0;
	v0 =	vld.idx.msk [tilespmem:v4+s13+$0x0], $0xffff  }
0x220: {  	[tilespmem:$0x1FE80] =	vst v1;
	v1 =	vld [tilespmem:s24+$0x8080];
	_ =	sdelay $0x3  }
0x221: {  	[tilespmem:$0x1FEC0] =	vst v0;
	v0 =	vld [tilespmem:s24+$0xD280]  }
0x222: {  	[tilespmem:$0x1FE90] =	vst v1;
	v1 =	vld [tilespmem:s24+$0xB080];
	_ =	sdelay $0x4  }
0x223: {  	[tilespmem:$0x1FEA0] =	vst v1;
	v1 =	vld [tilespmem:s24+$0x1380];
	_ =	sdelay $0x2  }
0x224: {  	v0 =	vld.idx.msk [tilespmem:v0+s17+$0x0], $0xffff;
	_ =	sdelay $0x1  }
0x225: {  	v2 =	vld [tilespmem:s24+$0x4380];
	_ =	sdelay $0x2  }
0x226: {  	[tilespmem:$0x1FF00] =	vst v0;
	v0 =	vld.idx.msk [tilespmem:v1+s13+$0x0], $0xffff  }
0x227: {  	v5 =	vld [tilespmem:s24+$0xB100]  }
0x228: {  	v3 =	vld [tilespmem:s24+$0x5000]  }
0x229: {  	v40 =	vld [tilespmem:s24+$0x7280]  }
0x22a: {  	v39 =	vld [tilespmem:s24+$0xA280]  }
0x22b: {  	[tilespmem:$0x1FF10] =	vst v0;
	v0 =	vld.idx.msk [tilespmem:v2+s14+$0x0], $0xffff  }
0x22c: {  	v46 =	vld [tilespmem:s24+$0x4200]  }
0x22d: {  	[tilespmem:$0x1FED0] =	vst v3;
	v3 =	vld [tilespmem:s24+$0x8000]  }
0x22e: {  	v43 =	vld [tilespmem:s24+$0x7200]  }
0x22f: {  	v44 =	vld [tilespmem:s24+$0xA200]  }
0x230: {  	[tilespmem:$0x1FF20] =	vst v0;
	v0 =	vld [tilespmem:s24+$0x7380]  }
0x231: {  	v50 =	vld [tilespmem:s24+$0x7180]  }
0x232: {  	[tilespmem:$0x1FEE0] =	vst v3;
	v3 =	vld [tilespmem:s24+$0xD200]  }
0x233: {  	v49 =	vld [tilespmem:s24+$0xA180]  }
0x234: {  	v55 =	vld [tilespmem:s24+$0x4100]  }
0x235: {  	[tilespmem:$0x1FF30] =	vst v0;
	v0 =	vld [tilespmem:s24+$0xA380]  }
0x236: {  	v53 =	vld [tilespmem:s24+$0x7100]  }
0x237: {  	v4 =	vld [tilespmem:s24+$0x1300]  }
0x238: {  	v54 =	vld [tilespmem:s24+$0xA100]  }
0x239: {  	v60 =	vld [tilespmem:s24+$0x7080]  }
0x23a: {  	[tilespmem:$0x1FF40] =	vst v0;
	v0 =	vld.idx.msk [tilespmem:v3+s17+$0x0], $0xffff  }
0x23b: {  	v59 =	vld [tilespmem:s24+$0xA080]  }
0x23c: {  	v63 =	vld [tilespmem:s24+$0x7000]  }
0x23d: {  	v7 =	vld [tilespmem:s24+$0xC200]  }
0x23e: {  	v8 =	vld [tilespmem:s24+$0x300]  }
0x23f: {  	[tilespmem:$0x1FF50] =	vst v0;
	v0 =	vld.idx.msk [tilespmem:v4+s13+$0x0], $0xffff  }
0x240: {  	v6 =	vld [tilespmem:s24+$0x6380]  }
0x241: {  	v11 =	vld [tilespmem:s24+$0x3300]  }
0x242: {  	v9 =	vld [tilespmem:s24+$0x6300]  }
0x243: {  	v12 =	vld [tilespmem:s24+$0xC100]  }
0x244: {  	[tilespmem:$0x1FF60] =	vst v0;
	v0 =	vld [tilespmem:s24+$0xD180]  }
0x245: {  	v13 =	vld [tilespmem:s24+$0x200]  }
0x246: {  	v10 =	vld [tilespmem:s24+$0x9300]  }
0x247: {  	v16 =	vld [tilespmem:s24+$0x6280]  }
0x248: {  	v1 =	vld [tilespmem:s24+$0x1280]  }
0x249: {  	v3 =	vld [tilespmem:s24+$0x4300]  }
0x24a: {  	v14 =	vld [tilespmem:s24+$0x9280]  }
0x24b: {  	v15 =	vld [tilespmem:s24+$0x180]  }
0x24c: {  	v0 =	vld.idx.msk [tilespmem:v0+s17+$0x0], $0xffff  }
0x24d: {  	v2 =	vld [tilespmem:s24+$0x4280]  }
0x24e: {  	[tilespmem:$0x1FF70] =	vst v3;
	v3 =	vld [tilespmem:s24+$0x7300]  }
0x24f: {  	v19 =	vld [tilespmem:s24+$0x3180]  }
0x250: {  	v21 =	vld [tilespmem:s24+$0x3200]  }
0x251: {  	[tilespmem:$0x1FF80] =	vst v0;
	v0 =	vld.idx.msk [tilespmem:v1+s13+$0x0], $0xffff  }
0x252: {  	v20 =	vld [tilespmem:s24+$0x6200]  }
0x253: {  	[tilespmem:$0x1FFE0] =	vst v3;
	v3 =	vld [tilespmem:s24+$0xD100]  }
0x254: {  	v18 =	vld [tilespmem:s24+$0x9200]  }
0x255: {  	v22 =	vld [tilespmem:s24+$0xC000]  }
0x256: {  	[tilespmem:$0x1FF90] =	vst v0;
	v0 =	vld.idx.msk [tilespmem:v2+s14+$0x0], $0xffff  }
0x257: {  	v26 =	vld [tilespmem:s24+$0x100]  }
0x258: {  	v4 =	vld [tilespmem:s24+$0x1200]  }
0x259: {  	v25 =	vld [tilespmem:s24+$0x6180]  }
0x25a: {  	v24 =	vld [tilespmem:s24+$0x9180]  }
0x25b: {  	[tilespmem:$0x1FFA0] =	vst v0;
	v0 =	vld.idx.msk [tilespmem:v3+s17+$0x0], $0xffff  }
0x25c: {  	v27 =	vld [tilespmem:s24+$0x80]  }
0x25d: {  	v2 =	vld [tilespmem:s24+$0x4180]  }
0x25e: {  	v31 =	vld [tilespmem:s24+$0x3100]  }
0x25f: {  	v3 =	vld [tilespmem:s24+$0xD000]  }
0x260: {  	[tilespmem:$0x1FFB0] =	vst v0;
	v0 =	vld.idx.msk [tilespmem:v4+s13+$0x0], $0xffff  }
0x261: {  	v4 =	vld [tilespmem:s24+$0x1100]  }
0x262: {  	v30 =	vld [tilespmem:s24+$0x6100]  }
0x263: {  	v28 =	vld [tilespmem:s24+$0x9100]  }
0x264: {  	v29 =	vld [tilespmem:s24+$0x0]  }
0x265: {  	v38 =	vld.idx.msk [tilespmem:v2+s14+$0x0], $0xffff  }
0x266: {  	v2 =	vld [tilespmem:s24+$0x4080]  }
0x267: {  	v45 =	vld.idx.msk [tilespmem:v3+s17+$0x0], $0xffff  }
0x268: {  	v3 =	vld [tilespmem:s24+$0xC300]  }
0x269: {  	v42 =	vld.idx.msk [tilespmem:v4+s13+$0x0], $0xffff  }
0x26a: {  	v4 =	vld [tilespmem:s24+$0x1000]  }
0x26b: {  	v33 =	vld [tilespmem:s24+$0x6000]  }
0x26c: {  	v34 =	vld [tilespmem:s24+$0x9000]  }
0x26d: {  	v35 =	vld [tilespmem:s24+$0x6080]  }
0x26e: {  	v48 =	vld.idx.msk [tilespmem:v2+s14+$0x0], $0xffff  }
0x26f: {  	s31 =	sor.u32 s20, s23;
	v2 =	vld [tilespmem:s24+$0xC280]  }
0x270: {  	s25 =	sor.u32 $0x380, s31;
	v56 =	vld.idx.msk [tilespmem:v3+s17+$0x0], $0xffff  }
0x271: {  	v3 =	vld [tilespmem:s25+$0x0]  }
0x272: {  	v52 =	vld.idx.msk [tilespmem:v4+s13+$0x0], $0xffff  }
0x273: {  	v4 =	vld [tilespmem:s24+$0x3380]  }
0x274: {  	s22 =	sadd.s32 $0x10, s22;
	v32 =	vld [tilespmem:s24+$0x9080]  }
0x275: {  	v36 =	vld [tilespmem:s22+$0x0]  }
0x276: {  	[tilespmem:$0x1FE50] =	vst v5;
	v5 =	vld [tilespmem:s24+$0xB000]  }
0x277: {  	v61 =	vld.idx.msk [tilespmem:v2+s17+$0x0], $0xffff  }
0x278: {  	v2 =	vld.idx.msk [tilespmem:v7+s17+$0x0], $0xffff  }
0x279: {  	v57 =	vld.idx.msk [tilespmem:v3+s13+$0x0], $0xffff  }
0x27a: {  	v3 =	vld [tilespmem:s24+$0xC180]  }
0x27b: {  	v58 =	vld.idx.msk [tilespmem:v4+s14+$0x0], $0xffff  }
0x27c: {  	v4 =	vld [tilespmem:s24+$0x280]  }
0x27d: {  	v7 =	vld [tilespmem:s24+$0x3280]  }
0x27e: {  	v62 =	vld.idx.msk [tilespmem:v8+s13+$0x0], $0xffff  }
0x27f: {  	v12 =	vld.idx.msk [tilespmem:v12+s17+$0x0], $0xffff  }
0x280: {  	[tilespmem:$0x1FFC0] =	vst v0;
	v0 =	vld [tilespmem:s24+$0xD080]  }
0x281: {  	v1 =	vld [tilespmem:s24+$0x1180]  }
0x282: {  	v23 =	vld.idx.msk [tilespmem:v22+s17+$0x0], $0xffff  }
0x283: {  	v8 =	vld.idx.msk [tilespmem:v3+s17+$0x0], $0xffff  }
0x284: {  	v3 =	vld.idx.msk [tilespmem:v4+s13+$0x0], $0xffff  }
0x285: {  	v4 =	vld.idx.msk [tilespmem:v7+s14+$0x0], $0xffff  }
0x286: {  	v7 =	vld.idx.msk [tilespmem:v13+s13+$0x0], $0xffff  }
0x287: {  	v13 =	vld [tilespmem:s24+$0xC080]  }
0x288: {  	v41 =	vld.idx.msk [tilespmem:v0+s17+$0x0], $0xffff  }
0x289: {  	v0 =	vld.idx.msk [tilespmem:v1+s13+$0x0], $0xffff  }
0x28a: {  	v22 =	vld.idx.msk [tilespmem:v27+s13+$0x0], $0xffff  }
0x28b: {  	v27 =	vld [tilespmem:s24+$0x3000]  }
0x28c: {  	[tilespmem:$0x1FEF0] =	vst v5;
	v5 =	vld [tilespmem:s24+$0xA300]  }
0x28d: {  	v1 =	vld [tilespmem:s24+$0x1080]  }
0x28e: {  	[tilespmem:$0x1FFD0] =	vst v0;
	v0 =	vld [tilespmem:s24+$0xC380]  }
0x28f: {  	v17 =	vld.idx.msk [tilespmem:v13+s17+$0x0], $0xffff  }
0x290: {  	v13 =	vld.idx.msk [tilespmem:v15+s13+$0x0], $0xffff  }
0x291: {  	v15 =	vld.idx.msk [tilespmem:v19+s14+$0x0], $0xffff  }
0x292: {  	v19 =	vld.idx.msk [tilespmem:v26+s13+$0x0], $0xffff  }
0x293: {  	v26 =	vld [tilespmem:s24+$0x3080]  }
0x294: {  	v29 =	vld.idx.msk [tilespmem:v29+s13+$0x0], $0xffff  }
0x295: {  	[tilespmem:$0x1FFF0] =	vst v5;
	v5 =	vld [tilespmem:s24+$0x9380]  }
0x296: {  	p0 =	sne.s32 s23, $0x1F0;
	v27 =	vld.idx.msk [tilespmem:v27+s14+$0x0], $0xffff  }
.Ltmp0:
0x297: {  	v47 =	vld.idx.msk [tilespmem:v1+s13+$0x0], $0xffff;
	(pc) =	sbr.rel @p0 .LBB2_2-.Ltmp0, $4  }
0x298: {  	v1 =	vld [tilespmem:s24+$0x4000]  }
0x299: {  	v51 =	vld.idx.msk [tilespmem:v0+s17+$0x0], $0xffff  }
0x29a: {  	v0 =	vld [tilespmem:s24+$0xA000]  }
0x29b: {  	s23 =	sadd.s32 $0x10, s23;
	v26 =	vld.idx.msk [tilespmem:v26+s14+$0x0], $0xffff  }
0x29c: {  	_ =	sdelay $0x3  }
0x29d: {  	v33 =	vld.idx.msk [tilespmem:v33+s15+$0x0], $0xffff  }
0x29e: {  	v34 =	vld.idx.msk [tilespmem:v34+s16+$0x0], $0xffff  }
0x29f: {  	v35 =	vld.idx.msk [tilespmem:v35+s15+$0x0], $0xffff  }
0x2a0: {  	v32 =	vld.idx.msk [tilespmem:v32+s16+$0x0], $0xffff  }
0x2a1: {  	v31 =	vld.idx.msk [tilespmem:v31+s14+$0x0], $0xffff  }
0x2a2: {  	v30 =	vld.idx.msk [tilespmem:v30+s15+$0x0], $0xffff  }
0x2a3: {  	v25 =	vld.idx.msk [tilespmem:v25+s15+$0x0], $0xffff  }
0x2a4: {  	v24 =	vld.idx.msk [tilespmem:v24+s16+$0x0], $0xffff  }
0x2a5: {  	v20 =	vld.idx.msk [tilespmem:v20+s15+$0x0], $0xffff  }
0x2a6: {  	v16 =	vld.idx.msk [tilespmem:v16+s15+$0x0], $0xffff  }
0x2a7: {  	v14 =	vld.idx.msk [tilespmem:v14+s16+$0x0], $0xffff  }
0x2a8: {  	v9 =	vld.idx.msk [tilespmem:v9+s15+$0x0], $0xffff  }
0x2a9: {  	v10 =	vld.idx.msk [tilespmem:v10+s16+$0x0], $0xffff  }
0x2aa: {  	v6 =	vld.idx.msk [tilespmem:v6+s15+$0x0], $0xffff  }
0x2ab: {  	v37 =	vsub.f32 v36, v36;
	v5 =	vld.idx.msk [tilespmem:v5+s16+$0x0], $0xffff  }
0x2ac: {  	v29 =	vadd.f32 v29, v36;
	v63 =	vld.idx.msk [tilespmem:v63+s15+$0x0], $0xffff  }
0x2ad: {  	v1 =	vld.idx.msk [tilespmem:v1+s14+$0x0], $0xffff;
	v23 =	vadd.f32 v23, v37  }
0x2ae: {  	v22 =	vadd.f32 v22, v29;
	v0 =	vld.idx.msk [tilespmem:v0+s16+$0x0], $0xffff  }
0x2af: {  	v27 =	vadd.f32 v27, v37;
	v17 =	vadd.f32 v17, v23;
	v23 =	vld.idx.msk [tilespmem:v28+s16+$0x0], $0xffff  }
0x2b0: {  	v19 =	vadd.f32 v19, v22;
	v22 =	vld.idx.msk [tilespmem:v46+s14+$0x0], $0xffff  }
0x2b1: {  	v26 =	vadd.f32 v26, v27;
	v27 =	vld.idx.msk [tilespmem:v40+s15+$0x0], $0xffff  }
0x2b2: {  	v28 =	vld.idx.msk [tilespmem:v39+s16+$0x0], $0xffff  }
0x2b3: {  	v39 =	vld [tilespmem:$0x1FF60]  }
0x2b4: {  	v40 =	vld [tilespmem:$0x1FEB0]  }
0x2b5: {  	v46 =	vld [tilespmem:$0x1FF20]  }
0x2b6: {  	v33 =	vadd.f32 v33, v37;
	v34 =	vadd.f32 v34, v37;
	v37 =	vld.idx.msk [tilespmem:v21+s14+$0x0], $0xffff  }
0x2b7: {  	v21 =	vld [tilespmem:$0x1FFB0]  }
0x2b8: {  	v29 =	vadd.f32 v31, v26;
	v31 =	vld.idx.msk [tilespmem:v18+s16+$0x0], $0xffff  }
0x2b9: {  	v12 =	vadd.f32 v12, v17;
	v17 =	vld.idx.msk [tilespmem:v53+s15+$0x0], $0xffff  }
0x2ba: {  	v18 =	vld.idx.msk [tilespmem:v54+s16+$0x0], $0xffff  }
0x2bb: {  	v13 =	vadd.f32 v13, v19;
	v19 =	vld.idx.msk [tilespmem:v50+s15+$0x0], $0xffff  }
0x2bc: {  	v26 =	vld [tilespmem:$0x1FFD0]  }
0x2bd: {  	v50 =	vld [tilespmem:$0x1FE10]  }
0x2be: {  	v53 =	vld [tilespmem:$0x1FDC0]  }
0x2bf: {  	v54 =	vld [tilespmem:$0x1FDF0]  }
0x2c0: {  	v36 =	vadd.f32 v32, v34;
	v34 =	vld.idx.msk [tilespmem:v11+s14+$0x0], $0xffff  }
0x2c1: {  	v35 =	vadd.f32 v35, v33;
	v7 =	vadd.f32 v7, v13;
	v13 =	vld.idx.msk [tilespmem:v60+s15+$0x0], $0xffff  }
0x2c2: {  	v15 =	vadd.f32 v15, v29;
	v29 =	vld [tilespmem:$0x1FFC0]  }
0x2c3: {  	v60 =	vld [tilespmem:$0x1FE30];
	v30 =	vadd.f32 v30, v35  }
0x2c4: {  	v23 =	vadd.f32 v23, v36;
	v35 =	vadd.f32 v37, v15;
	v15 =	vld.idx.msk [tilespmem:v55+s14+$0x0], $0xffff  }
0x2c5: {  	v55 =	vld [tilespmem:$0x1FE70]  }
0x2c6: {  	v33 =	vadd.f32 v24, v23;
	v23 =	vld.idx.msk [tilespmem:v43+s15+$0x0], $0xffff  }
0x2c7: {  	v24 =	vld [tilespmem:$0x1FF80]  }
0x2c8: {  	v32 =	vadd.f32 v25, v30;
	v25 =	vld.idx.msk [tilespmem:v44+s16+$0x0], $0xffff  }
0x2c9: {  	v30 =	vld [tilespmem:$0x1FF50]  }
0x2ca: {  	v43 =	vld [tilespmem:$0x1FE60]  }
0x2cb: {  	v3 =	vadd.f32 v3, v7;
	v44 =	vld [tilespmem:$0x1FEF0]  }
0x2cc: {  	v4 =	vadd.f32 v4, v35;
	v35 =	vld [tilespmem:$0x1FF90]  }
0x2cd: {  	v3 =	vadd.f32 v62, v3;
	v62 =	vld [tilespmem:$0x1FDE0]  }
0x2ce: {  	v8 =	vadd.f32 v8, v12;
	v36 =	vadd.f32 v20, v32;
	v20 =	vld.idx.msk [tilespmem:v49+s16+$0x0], $0xffff  }
0x2cf: {  	v12 =	vadd.f32 v31, v33;
	v31 =	vld [tilespmem:$0x1FF70]  }
0x2d0: {  	v2 =	vadd.f32 v2, v8;
	v32 =	vld [tilespmem:$0x1FFE0]  }
0x2d1: {  	v33 =	vld [tilespmem:$0x1FF00]  }
0x2d2: {  	v2 =	vadd.f32 v61, v2;
	v49 =	vld [tilespmem:$0x1FEC0]  }
0x2d3: {  	v4 =	vadd.f32 v34, v4;
	v34 =	vld [tilespmem:$0x1FFF0]  }
0x2d4: {  	v2 =	vadd.f32 v56, v2;
	v56 =	vld [tilespmem:$0x1FE80]  }
0x2d5: {  	v3 =	vadd.f32 v57, v3;
	v57 =	vld [tilespmem:$0x1FE00]  }
0x2d6: {  	v61 =	vadd.f32 v14, v12;
	v14 =	vld.idx.msk [tilespmem:v59+s16+$0x0], $0xffff  }
0x2d7: {  	v37 =	vadd.f32 v16, v36;
	v36 =	vld [tilespmem:$0x1FFA0]  }
0x2d8: {  	v59 =	vld [tilespmem:$0x1FE20];
	v2 =	vadd.f32 v51, v2;
	v4 =	vadd.f32 v58, v4  }
0x2d9: {  	v3 =	vadd.f32 v52, v3;
	v51 =	vld [tilespmem:$0x1FE40];
	v7 =	vadd.f32 v9, v37  }
0x2da: {  	v52 =	vld [tilespmem:$0x1FE50];
	v12 =	vadd.f32 v10, v61;
	v2 =	vadd.f32 v45, v2  }
0x2db: {  	v58 =	vld [tilespmem:$0x1FDB0];
	v1 =	vadd.f32 v1, v4;
	v3 =	vadd.f32 v47, v3  }
0x2dc: {  	v37 =	vld [tilespmem:$0x1FF30];
	v6 =	vadd.f32 v6, v7;
	v5 =	vadd.f32 v5, v12  }
0x2dd: {  	v61 =	vld [tilespmem:$0x1FDD0];
	v2 =	vadd.f32 v41, v2;
	v1 =	vadd.f32 v48, v1  }
0x2de: {  	v45 =	vld [tilespmem:$0x1FF10];
	v3 =	vadd.f32 v42, v3;
	v16 =	vadd.f32 v63, v6  }
0x2df: {  	v47 =	vld [tilespmem:$0x1FE90];
	v0 =	vadd.f32 v0, v5;
	v1 =	vadd.f32 v15, v1  }
0x2e0: {  	v41 =	vld [tilespmem:$0x1FED0];
	v2 =	vadd.f32 v21, v2;
	v3 =	vadd.f32 v26, v3  }
0x2e1: {  	v4 =	vadd.f32 v13, v16;
	v1 =	vadd.f32 v38, v1;
	v38 =	vld [tilespmem:$0x1FF40]  }
0x2e2: {  	v42 =	vld [tilespmem:$0x1FEE0];
	v0 =	vadd.f32 v14, v0;
	v2 =	vadd.f32 v24, v2  }
0x2e3: {  	v48 =	vld [tilespmem:$0x1FEA0];
	v3 =	vadd.f32 v29, v3;
	v4 =	vadd.f32 v17, v4  }
0x2e4: {  	v8 =	vld.idx.msk [tilespmem:v31+s14+$0x0], $0xffff;
	v0 =	vadd.f32 v18, v0;
	v2 =	vadd.f32 v30, v2  }
0x2e5: {  	v6 =	vld.idx.msk [tilespmem:v32+s15+$0x0], $0xffff;
	v1 =	vadd.f32 v22, v1;
	v4 =	vadd.f32 v19, v4  }
0x2e6: {  	v63 =	vld [tilespmem:$0x1FDA0];
	v3 =	vadd.f32 v35, v3;
	v0 =	vadd.f32 v20, v0  }
0x2e7: {  	v5 =	vld.idx.msk [tilespmem:v34+s16+$0x0], $0xffff;
	v2 =	vadd.f32 v33, v2;
	v4 =	vadd.f32 v23, v4  }
0x2e8: {  	v10 =	vld.idx.msk [tilespmem:v37+s15+$0x0], $0xffff;
	v1 =	vadd.f32 v36, v1;
	v0 =	vadd.f32 v25, v0  }
0x2e9: {  	v3 =	vadd.f32 v39, v3;
	v4 =	vadd.f32 v27, v4;
	v7 =	vld.idx.msk [tilespmem:v38+s16+$0x0], $0xffff  }
0x2ea: {  	v9 =	vld.idx.msk [tilespmem:v41+s14+$0x0], $0xffff;
	v2 =	vadd.f32 v40, v2;
	v0 =	vadd.f32 v28, v0  }
0x2eb: {  	v1 =	vadd.f32 v8, v1;
	v4 =	vadd.f32 v6, v4;
	v6 =	vld.idx.msk [tilespmem:v42+s15+$0x0], $0xffff  }
0x2ec: {  	v3 =	vadd.f32 v45, v3;
	v0 =	vadd.f32 v5, v0;
	v5 =	vld.idx.msk [tilespmem:v44+s16+$0x0], $0xffff  }
0x2ed: {  	v8 =	vld.idx.msk [tilespmem:v47+s15+$0x0], $0xffff;
	v2 =	vadd.f32 v43, v2;
	v1 =	vadd.f32 v46, v1  }
0x2ee: {  	v4 =	vadd.f32 v10, v4;
	v0 =	vadd.f32 v7, v0;
	v7 =	vld.idx.msk [tilespmem:v48+s16+$0x0], $0xffff  }
0x2ef: {  	v3 =	vadd.f32 v49, v3;
	v2 =	vadd.f32 v50, v2;
	v10 =	vld.idx.msk [tilespmem:v51+s15+$0x0], $0xffff  }
0x2f0: {  	v1 =	vadd.f32 v9, v1;
	v4 =	vadd.f32 v6, v4;
	v6 =	vld.idx.msk [tilespmem:v52+s16+$0x0], $0xffff  }
0x2f1: {  	v3 =	vadd.f32 v55, v3;
	v9 =	vld.idx.msk [tilespmem:v57+s16+$0x0], $0xffff;
	v0 =	vadd.f32 v5, v0  }
0x2f2: {  	v2 =	vadd.f32 v53, v2;
	v1 =	vadd.f32 v56, v1;
	v5 =	vld.idx.msk [tilespmem:v54+s15+$0x0], $0xffff  }
0x2f3: {  	v4 =	vadd.f32 v8, v4;
	v0 =	vadd.f32 v7, v0  }
0x2f4: {  	v3 =	vadd.f32 v59, v3;
	v1 =	vadd.f32 v60, v1;
	v7 =	vld.idx.msk [tilespmem:v58+s17+$0x0], $0xffff  }
0x2f5: {  	v4 =	vadd.f32 v10, v4;
	v0 =	vadd.f32 v6, v0  }
0x2f6: {  	v3 =	vadd.f32 v61, v3;
	v1 =	vadd.f32 v62, v1;
	v6 =	vld.idx.msk [tilespmem:v63+s17+$0x0], $0xffff  }
0x2f7: {  	v4 =	vadd.f32 v5, v4;
	v0 =	vadd.f32 v9, v0  }
0x2f8: {  	v1 =	vadd.f32 v1, v3  }
0x2f9: {  	v2 =	vadd.f32 v7, v2;
	v0 =	vadd.f32 v0, v4;
	_ =	sdelay $0x1  }
0x2fa: {  	v2 =	vadd.f32 v6, v2;
	v0 =	vadd.f32 v0, v1;
	_ =	sdelay $0x1  }
0x2fb: {  	s19 =	sadd.s32 $0x1, s19;
	v0 =	vadd.f32 v2, v0  }
0x2fc: {  	s20 =	sadd.s32 $0x10, s21;
	p0 =	sne.s32 s19, s11  }
.Ltmp1:
0x2fd: {  	[tilespmem:s20+$0x0] =	vst v0;
	(pc) =	sbr.rel @p0 .LBB2_1-.Ltmp1, $4  }
0x2fe: {  	[hbm4b:s10+s2] =	stream.linear.scatter [tilespmem:s18], [sflag:$0x1], $0x200, $0x38;
	[tilespmem:$0x11C80] =	vst v63  }
0x2ff: {  	_ =	swait.ge [sflag:s12], $0x200  }
0x300: {  	[sflag:s12] =	ssyncset.done $0x0  }
0x301: {  	[sflag:s12] =	ssyncadd.s32 $0xFFFFFE00  }
0x302: {  	_ =	sfence.sel $0x180000  }
0x303: {  	[bflag:$0x0] =	sbarrier.arrive $0xFFFF  }
0x304: {  	p0 =	sne.s32 s0, $0x0;
	_ =	strace $0x90000047  }
0x305: {  	s0 =	sadd.s32 @!p0 $0x100000, s1;
	[bflag:$0x2] =	sbarrier.arrive $0xFFFF  }
0x306: {  	[sflag:s0] =	ssyncadd.tile.s32 @!p0 $0x1;
	_ =	shalt  }
.Lfunc_end2:
_tile_overlayer_lowered:
.L_overlay_start_2:
0x307: {  	(tag) =	ssettag $0x2  }
0x308: {  	s0 =	rddreg [dreg:$0x0];
	s2 =	stileid.u32  }
0x309: {  	s1 =	rddreg [dreg:$0x1];
	p0 =	sne.s32 s2, $0x0  }
0x30a: {  	s3 =	rddreg [dreg:$0x2];
	[bflag:$0x3] =	sbarrier.arrive $0xFFFF;
	s2 =	simm.s32 @!p0 $0x1C01  }
0x30b: {  	[timem:s3], [sflag:s2] =	dma.local @!p0 [hbm:s0], s1  }
0x30c: {  	s0 =	simm.s32 @!p0 $0x1  }
0x30d: {  	_ =	swait.ge @!p0 [sflag:s0], s1  }
0x30e: {  	s1 =	ssub.s32 @!p0 $0x0, s1;
	[sflag:s0] =	ssyncset.done @!p0 $0x0  }
0x30f: {  	[sflag:s0] =	ssyncadd.s32 @!p0 s1  }
0x310: {  	[bflag:$0x3] =	sbarrier.arrive $0xFFFF  }
0x311: {  	_ =	shalt  }

</sc_bundles>
